<compile_context>
chip_gen: v7x
topology: tpu7x:2x2x1
jax: 0.10.2.dev20260603
libtpu: 0.0.44.dev20260713+nightly
codegen_flags: <defaults>
</compile_context>

<pallas_src>
import functools

import jax
import jax.numpy as jnp
from jax import lax
from jax.experimental import pallas as pl
from jax.experimental.pallas import tpu as pltpu
from jax.experimental.pallas import tpu_sc as plsc

NC, NS = 2, 16
NW = NC * NS
LANES = 16
CHUNK = 200
NB = 4
G1, G2 = 128, 72


def _embed_call(ids_flat, token_table, pos_table, n, s, e):
    per_w = n // NW
    n_chunks = per_w // CHUNK
    assert n_chunks % NB == 0, (n_chunks, NB)
    n_groups = n_chunks // NB

    mesh = plsc.VectorSubcoreMesh(
        core_axis_name="c", subcore_axis_name="s", num_cores=NC, num_subcores=NS
    )

    @functools.partial(
        pl.kernel,
        out_type=jax.ShapeDtypeStruct((n, e), jnp.float32),
        mesh=mesh,
        scratch_types=[
            pltpu.VMEM((per_w,), jnp.int32),
            pltpu.VMEM((s, e), jnp.float32),
        ]
        + [pltpu.VMEM((CHUNK, e), jnp.float32) for _ in range(NB)]
        + [pltpu.SemaphoreType.DMA for _ in range(3 * NB)],
        compiler_params=pltpu.CompilerParams(use_tc_tiling_on_sc=False),
    )
    def embed(ids_hbm, tok_hbm, pos_hbm, out_hbm, idx_v, pos_v, *bufs):
        rows = bufs[:NB]
        gsem1 = bufs[NB : 2 * NB]
        gsem2 = bufs[2 * NB : 3 * NB]
        wsem = bufs[3 * NB : 4 * NB]
        wid = lax.axis_index("s") * NC + lax.axis_index("c")
        base_w = wid * per_w
        pltpu.sync_copy(pos_hbm, pos_v)
        pltpu.sync_copy(ids_hbm.at[pl.ds(base_w, per_w)], idx_v)

        def fire_gather(k, b):
            o = k * CHUNK
            pltpu.async_copy(
                tok_hbm.at[idx_v.at[pl.ds(o, G1)]], rows[b].at[pl.ds(0, G1)], gsem1[b]
            )
            pltpu.async_copy(
                tok_hbm.at[idx_v.at[pl.ds(o + G1, G2)]],
                rows[b].at[pl.ds(G1, G2)],
                gsem2[b],
            )

        def drain_gather(b):
            pltpu.make_async_copy(
                tok_hbm.at[pl.ds(0, G1)], rows[b].at[pl.ds(0, G1)], gsem1[b]
            ).wait()
            pltpu.make_async_copy(
                tok_hbm.at[pl.ds(0, G2)], rows[b].at[pl.ds(G1, G2)], gsem2[b]
            ).wait()

        def drain_writeback(b):
            pltpu.make_async_copy(rows[b], out_hbm.at[pl.ds(0, CHUNK)], wsem[b]).wait()

        for b in range(NB - 1):
            fire_gather(b, b)

        def group_body(g, carry):
            for b in range(NB):
                k = g * NB + b
                drain_gather(b)

                def s_body(si, carry2):
                    for v in range(e // LANES):
                        sl = pl.ds(v * LANES, LANES)
                        plsc.addupdate(rows[b].at[si, sl], pos_v[si, sl])
                    return carry2

                lax.fori_loop(0, CHUNK, s_body, 0)
                pltpu.async_copy(
                    rows[b], out_hbm.at[pl.ds(base_w + k * CHUNK, CHUNK)], wsem[b]
                )
                kn = k + NB - 1
                bp = (b + NB - 1) % NB

                @pl.when(jnp.logical_and(k >= 1, kn < n_chunks))
                def _():
                    drain_writeback(bp)

                @pl.when(kn < n_chunks)
                def _():
                    fire_gather(kn, bp)

            return carry

        lax.fori_loop(0, n_groups, group_body, 0)
        for b in range(NB):
            drain_writeback(b)

    return embed(ids_flat, token_table, pos_table)


def kernel(token_ids, token_table, pos_table):
    b, s = token_ids.shape
    v, e = token_table.shape
    n = b * s
    ids_flat = token_ids.reshape(n).astype(jnp.int32)
    out = _embed_call(ids_flat, token_table, pos_table, n, s, e)
    return out.reshape(b, s, e)

# --- scband reference (transcript-rebuilt; emitter-appended) ---
"""Pipeline reference for scband-sequence-embedding-32899449487977 (READ-ONLY COPY).

The authoritative reference and input builder live on the scoring server;
editing this copy changes nothing except your own understanding.
"""

import jax, jax.numpy as jnp
import numpy as np

VOCAB = 1000000
MAX_SEQ = 200
EMBED = 64
BATCH = 4096

def setup_inputs(seed: int = 0) -> dict:
    key = jax.random.key(seed)
    k1, k2, k3 = jax.random.split(key, 3)
    token_ids = jax.random.randint(k1, (BATCH, MAX_SEQ), 0, VOCAB, dtype=jnp.int64 if jax.config.jax_enable_x64 else jnp.int32)
    token_table = jax.random.normal(k2, (VOCAB, EMBED), dtype=jnp.float32) * 0.02
    pos_table = jax.random.normal(k3, (MAX_SEQ, EMBED), dtype=jnp.float32) * 0.02
    return {"token_ids": token_ids, "token_table": token_table, "pos_table": pos_table}

def reference(token_ids, token_table, pos_table):
    B, S = token_ids.shape
    positions = jnp.arange(S)[None, :]  # (1, S)
    token_embedding = jnp.take(token_table, token_ids, axis=0)       # (B, S, E)
    positional_embedding = jnp.take(pos_table, positions, axis=0)    # (1, S, E)
    out = token_embedding + positional_embedding
    return out

if __name__ == "__main__":
    import jax
    _d = setup_inputs()
    print(jax.jit(kernel)(*tuple(_d.values())))

</pallas_src>

<mosaic_0001>
#map = affine_map<(d0, d1) -> (0)>
#map1 = affine_map<(d0, d1) -> (0, 0)>
module attributes {stable_mosaic.version = 14 : i64} {
  func.func @embed(%arg0: i32, %arg1: i32, %arg2: memref<819200xi32, #tpu.memory_space<hbm>>, %arg3: memref<1000000x64xf32, #tpu.memory_space<hbm>>, %arg4: memref<200x64xf32, #tpu.memory_space<hbm>>, %arg5: memref<819200x64xf32, #tpu.memory_space<hbm>>, %arg6: memref<25600xi32, #tpu.memory_space<vmem>>, %arg7: memref<200x64xf32, #tpu.memory_space<vmem>>, %arg8: memref<200x64xf32, #tpu.memory_space<vmem>>, %arg9: memref<200x64xf32, #tpu.memory_space<vmem>>, %arg10: memref<200x64xf32, #tpu.memory_space<vmem>>, %arg11: memref<200x64xf32, #tpu.memory_space<vmem>>, %arg12: memref<!tpu.dma_semaphore, #tpu.memory_space<semaphore_mem>>, %arg13: memref<!tpu.dma_semaphore, #tpu.memory_space<semaphore_mem>>, %arg14: memref<!tpu.dma_semaphore, #tpu.memory_space<semaphore_mem>>, %arg15: memref<!tpu.dma_semaphore, #tpu.memory_space<semaphore_mem>>, %arg16: memref<!tpu.dma_semaphore, #tpu.memory_space<semaphore_mem>>, %arg17: memref<!tpu.dma_semaphore, #tpu.memory_space<semaphore_mem>>, %arg18: memref<!tpu.dma_semaphore, #tpu.memory_space<semaphore_mem>>, %arg19: memref<!tpu.dma_semaphore, #tpu.memory_space<semaphore_mem>>, %arg20: memref<!tpu.dma_semaphore, #tpu.memory_space<semaphore_mem>>, %arg21: memref<!tpu.dma_semaphore, #tpu.memory_space<semaphore_mem>>, %arg22: memref<!tpu.dma_semaphore, #tpu.memory_space<semaphore_mem>>, %arg23: memref<!tpu.dma_semaphore, #tpu.memory_space<semaphore_mem>>) attributes {dimension_semantics = [#tpu.dimension_semantics<core_parallel>, #tpu.dimension_semantics<subcore_parallel>], iteration_bounds = array<i64: 2, 16>, scalar_prefetch = 0 : i64, scratch_operands = 18 : i64, tpu.core_type = #tpu.core_type<sc_vector_subcore>, window_params = [{transform_indices = #map}, {transform_indices = #map1}, {transform_indices = #map1}, {transform_indices = #map1}]} {
    %mul3A = arith.constant 2 : i32
    %mul3A_0 = arith.muli %arg1, %mul3A : i32
    %add3A = arith.addi %mul3A_0, %arg0 : i32
    %mul3A_1 = arith.constant 25600 : i32
    %mul3A_2 = arith.muli %add3A, %mul3A_1 : i32
    "tpu.region"() ({
      %run_scoped3A = tpu.sem_alloc : memref<!tpu.dma_semaphore, #tpu.memory_space<semaphore_mem>>
      tpu.enqueue_dma source(%arg4 : memref<200x64xf32, #tpu.memory_space<hbm>>) target(%arg7 : memref<200x64xf32, #tpu.memory_space<vmem>>) target_semaphore(%run_scoped3A : memref<!tpu.dma_semaphore, #tpu.memory_space<semaphore_mem>>)
      tpu.wait_dma2 semaphore(%run_scoped3A : memref<!tpu.dma_semaphore, #tpu.memory_space<semaphore_mem>>) src(%arg4 : memref<200x64xf32, #tpu.memory_space<hbm>>) dst(%arg7 : memref<200x64xf32, #tpu.memory_space<vmem>>)
      tpu.yield
    }) : () -> ()
    "tpu.region"() ({
      %run_scoped3A = tpu.sem_alloc : memref<!tpu.dma_semaphore, #tpu.memory_space<semaphore_mem>>
      %dma_start3A_78 = tpu.memref_slice %arg2[%mul3A_2] : memref<819200xi32, #tpu.memory_space<hbm>> -> memref<25600xi32, #tpu.memory_space<hbm>>
      %dma_start3A_79 = tpu.memref_slice %arg2[%mul3A_2] : memref<819200xi32, #tpu.memory_space<hbm>> -> memref<25600xi32, #tpu.memory_space<hbm>>
      tpu.enqueue_dma source(%dma_start3A_79 : memref<25600xi32, #tpu.memory_space<hbm>>) target(%arg6 : memref<25600xi32, #tpu.memory_space<vmem>>) target_semaphore(%run_scoped3A : memref<!tpu.dma_semaphore, #tpu.memory_space<semaphore_mem>>)
      %dma_wait3A_80 = tpu.memref_slice %arg2[%mul3A_2] : memref<819200xi32, #tpu.memory_space<hbm>> -> memref<25600xi32, #tpu.memory_space<hbm>>
      %dma_wait3A_81 = tpu.memref_slice %arg2[%mul3A_2] : memref<819200xi32, #tpu.memory_space<hbm>> -> memref<25600xi32, #tpu.memory_space<hbm>>
      tpu.wait_dma2 semaphore(%run_scoped3A : memref<!tpu.dma_semaphore, #tpu.memory_space<semaphore_mem>>) src(%dma_wait3A_81 : memref<25600xi32, #tpu.memory_space<hbm>>) dst(%arg6 : memref<25600xi32, #tpu.memory_space<vmem>>)
      tpu.yield
    }) : () -> ()
    %dma_start3A = arith.constant 0 : i32
    %dma_start3A_3 = arith.constant 0 : i32
    %dma_start3A_4 = tpu.memref_slice %arg8[%dma_start3A, %dma_start3A_3] : memref<200x64xf32, #tpu.memory_space<vmem>> -> memref<128x64xf32, #tpu.memory_space<vmem>>
    %dma_start3A_5 = arith.constant 0 : i32
    %dma_start3A_6 = tpu.memref_slice %arg6[%dma_start3A_5] : memref<25600xi32, #tpu.memory_space<vmem>> -> memref<128xi32, #tpu.memory_space<vmem>>
    %dma_start3A_7 = arith.constant 0 : i32
    %dma_start3A_8 = arith.constant 0 : i32
    %dma_start3A_9 = tpu.memref_slice %arg3[%dma_start3A_7, %dma_start3A_8] : memref<1000000x64xf32, #tpu.memory_space<hbm>> -> memref<1000000x64xf32, #tpu.memory_space<hbm>>
    tpu.enqueue_indirect_dma source(%dma_start3A_9 : memref<1000000x64xf32, #tpu.memory_space<hbm>>) target(%dma_start3A_4 : memref<128x64xf32, #tpu.memory_space<vmem>>) offsets(%dma_start3A_6 : memref<128xi32, #tpu.memory_space<vmem>>) semaphore(%arg12 : memref<!tpu.dma_semaphore, #tpu.memory_space<semaphore_mem>>)
    %dma_start3A_10 = arith.constant 128 : i32
    %dma_start3A_11 = arith.constant 0 : i32
    %dma_start3A_12 = tpu.memref_slice %arg8[%dma_start3A_10, %dma_start3A_11] : memref<200x64xf32, #tpu.memory_space<vmem>> -> memref<72x64xf32, #tpu.memory_space<vmem>>
    %dma_start3A_13 = arith.constant 128 : i32
    %dma_start3A_14 = tpu.memref_slice %arg6[%dma_start3A_13] : memref<25600xi32, #tpu.memory_space<vmem>> -> memref<72xi32, #tpu.memory_space<vmem>>
    %dma_start3A_15 = arith.constant 0 : i32
    %dma_start3A_16 = arith.constant 0 : i32
    %dma_start3A_17 = tpu.memref_slice %arg3[%dma_start3A_15, %dma_start3A_16] : memref<1000000x64xf32, #tpu.memory_space<hbm>> -> memref<1000000x64xf32, #tpu.memory_space<hbm>>
    tpu.enqueue_indirect_dma source(%dma_start3A_17 : memref<1000000x64xf32, #tpu.memory_space<hbm>>) target(%dma_start3A_12 : memref<72x64xf32, #tpu.memory_space<vmem>>) offsets(%dma_start3A_14 : memref<72xi32, #tpu.memory_space<vmem>>) semaphore(%arg16 : memref<!tpu.dma_semaphore, #tpu.memory_space<semaphore_mem>>)
    %dma_start3A_18 = arith.constant 0 : i32
    %dma_start3A_19 = arith.constant 0 : i32
    %dma_start3A_20 = tpu.memref_slice %arg9[%dma_start3A_18, %dma_start3A_19] : memref<200x64xf32, #tpu.memory_space<vmem>> -> memref<128x64xf32, #tpu.memory_space<vmem>>
    %dma_start3A_21 = arith.constant 200 : i32
    %dma_start3A_22 = tpu.memref_slice %arg6[%dma_start3A_21] : memref<25600xi32, #tpu.memory_space<vmem>> -> memref<128xi32, #tpu.memory_space<vmem>>
    %dma_start3A_23 = arith.constant 0 : i32
    %dma_start3A_24 = arith.constant 0 : i32
    %dma_start3A_25 = tpu.memref_slice %arg3[%dma_start3A_23, %dma_start3A_24] : memref<1000000x64xf32, #tpu.memory_space<hbm>> -> memref<1000000x64xf32, #tpu.memory_space<hbm>>
    tpu.enqueue_indirect_dma source(%dma_start3A_25 : memref<1000000x64xf32, #tpu.memory_space<hbm>>) target(%dma_start3A_20 : memref<128x64xf32, #tpu.memory_space<vmem>>) offsets(%dma_start3A_22 : memref<128xi32, #tpu.memory_space<vmem>>) semaphore(%arg13 : memref<!tpu.dma_semaphore, #tpu.memory_space<semaphore_mem>>)
    %dma_start3A_26 = arith.constant 128 : i32
    %dma_start3A_27 = arith.constant 0 : i32
    %dma_start3A_28 = tpu.memref_slice %arg9[%dma_start3A_26, %dma_start3A_27] : memref<200x64xf32, #tpu.memory_space<vmem>> -> memref<72x64xf32, #tpu.memory_space<vmem>>
    %dma_start3A_29 = arith.constant 328 : i32
    %dma_start3A_30 = tpu.memref_slice %arg6[%dma_start3A_29] : memref<25600xi32, #tpu.memory_space<vmem>> -> memref<72xi32, #tpu.memory_space<vmem>>
    %dma_start3A_31 = arith.constant 0 : i32
    %dma_start3A_32 = arith.constant 0 : i32
    %dma_start3A_33 = tpu.memref_slice %arg3[%dma_start3A_31, %dma_start3A_32] : memref<1000000x64xf32, #tpu.memory_space<hbm>> -> memref<1000000x64xf32, #tpu.memory_space<hbm>>
    tpu.enqueue_indirect_dma source(%dma_start3A_33 : memref<1000000x64xf32, #tpu.memory_space<hbm>>) target(%dma_start3A_28 : memref<72x64xf32, #tpu.memory_space<vmem>>) offsets(%dma_start3A_30 : memref<72xi32, #tpu.memory_space<vmem>>) semaphore(%arg17 : memref<!tpu.dma_semaphore, #tpu.memory_space<semaphore_mem>>)
    %dma_start3A_34 = arith.constant 0 : i32
    %dma_start3A_35 = arith.constant 0 : i32
    %dma_start3A_36 = tpu.memref_slice %arg10[%dma_start3A_34, %dma_start3A_35] : memref<200x64xf32, #tpu.memory_space<vmem>> -> memref<128x64xf32, #tpu.memory_space<vmem>>
    %dma_start3A_37 = arith.constant 400 : i32
    %dma_start3A_38 = tpu.memref_slice %arg6[%dma_start3A_37] : memref<25600xi32, #tpu.memory_space<vmem>> -> memref<128xi32, #tpu.memory_space<vmem>>
    %dma_start3A_39 = arith.constant 0 : i32
    %dma_start3A_40 = arith.constant 0 : i32
    %dma_start3A_41 = tpu.memref_slice %arg3[%dma_start3A_39, %dma_start3A_40] : memref<1000000x64xf32, #tpu.memory_space<hbm>> -> memref<1000000x64xf32, #tpu.memory_space<hbm>>
    tpu.enqueue_indirect_dma source(%dma_start3A_41 : memref<1000000x64xf32, #tpu.memory_space<hbm>>) target(%dma_start3A_36 : memref<128x64xf32, #tpu.memory_space<vmem>>) offsets(%dma_start3A_38 : memref<128xi32, #tpu.memory_space<vmem>>) semaphore(%arg14 : memref<!tpu.dma_semaphore, #tpu.memory_space<semaphore_mem>>)
    %dma_start3A_42 = arith.constant 128 : i32
    %dma_start3A_43 = arith.constant 0 : i32
    %dma_start3A_44 = tpu.memref_slice %arg10[%dma_start3A_42, %dma_start3A_43] : memref<200x64xf32, #tpu.memory_space<vmem>> -> memref<72x64xf32, #tpu.memory_space<vmem>>
    %dma_start3A_45 = arith.constant 528 : i32
    %dma_start3A_46 = tpu.memref_slice %arg6[%dma_start3A_45] : memref<25600xi32, #tpu.memory_space<vmem>> -> memref<72xi32, #tpu.memory_space<vmem>>
    %dma_start3A_47 = arith.constant 0 : i32
    %dma_start3A_48 = arith.constant 0 : i32
    %dma_start3A_49 = tpu.memref_slice %arg3[%dma_start3A_47, %dma_start3A_48] : memref<1000000x64xf32, #tpu.memory_space<hbm>> -> memref<1000000x64xf32, #tpu.memory_space<hbm>>
    tpu.enqueue_indirect_dma source(%dma_start3A_49 : memref<1000000x64xf32, #tpu.memory_space<hbm>>) target(%dma_start3A_44 : memref<72x64xf32, #tpu.memory_space<vmem>>) offsets(%dma_start3A_46 : memref<72xi32, #tpu.memory_space<vmem>>) semaphore(%arg18 : memref<!tpu.dma_semaphore, #tpu.memory_space<semaphore_mem>>)
    %scan3A = arith.constant 0 : i32
    %scan3A_50 = arith.constant 0 : i32
    %scan3A_51 = arith.constant 32 : i32
    %scan3A_52 = arith.addi %scan3A_50, %scan3A_51 : i32
    %scan3A_53 = arith.constant 1 : i32
    scf.for %scan3A_78 = %scan3A_50 to %scan3A_52 step %scan3A_53  : i32 {
      %mul3A_79 = arith.constant 4 : i32
      %mul3A_80 = arith.muli %scan3A_78, %mul3A_79 : i32
      %add3A_81 = arith.constant 0 : i32
      %add3A_82 = arith.addi %mul3A_80, %add3A_81 : i32
      %dma_wait3A_83 = arith.constant 0 : i32
      %dma_wait3A_84 = arith.constant 0 : i32
      %dma_wait3A_85 = tpu.memref_slice %arg8[%dma_wait3A_83, %dma_wait3A_84] : memref<200x64xf32, #tpu.memory_space<vmem>> -> memref<128x64xf32, #tpu.memory_space<vmem>>
      %dma_wait3A_86 = arith.constant 0 : i32
      %dma_wait3A_87 = arith.constant 0 : i32
      %dma_wait3A_88 = tpu.memref_slice %arg3[%dma_wait3A_86, %dma_wait3A_87] : memref<1000000x64xf32, #tpu.memory_space<hbm>> -> memref<128x64xf32, #tpu.memory_space<hbm>>
      %dma_wait3A_89 = arith.constant 0 : i32
      %dma_wait3A_90 = arith.constant 0 : i32
      %dma_wait3A_91 = tpu.memref_slice %arg8[%dma_wait3A_89, %dma_wait3A_90] : memref<200x64xf32, #tpu.memory_space<vmem>> -> memref<128x64xf32, #tpu.memory_space<vmem>>
      %dma_wait3A_92 = arith.constant 0 : i32
      %dma_wait3A_93 = arith.constant 0 : i32
      %dma_wait3A_94 = tpu.memref_slice %arg3[%dma_wait3A_92, %dma_wait3A_93] : memref<1000000x64xf32, #tpu.memory_space<hbm>> -> memref<128x64xf32, #tpu.memory_space<hbm>>
      tpu.wait_dma2 semaphore(%arg12 : memref<!tpu.dma_semaphore, #tpu.memory_space<semaphore_mem>>) src(%dma_wait3A_94 : memref<128x64xf32, #tpu.memory_space<hbm>>) dst(%dma_wait3A_91 : memref<128x64xf32, #tpu.memory_space<vmem>>)
      %dma_wait3A_95 = arith.constant 128 : i32
      %dma_wait3A_96 = arith.constant 0 : i32
      %dma_wait3A_97 = tpu.memref_slice %arg8[%dma_wait3A_95, %dma_wait3A_96] : memref<200x64xf32, #tpu.memory_space<vmem>> -> memref<72x64xf32, #tpu.memory_space<vmem>>
      %dma_wait3A_98 = arith.constant 0 : i32
      %dma_wait3A_99 = arith.constant 0 : i32
      %dma_wait3A_100 = tpu.memref_slice %arg3[%dma_wait3A_98, %dma_wait3A_99] : memref<1000000x64xf32, #tpu.memory_space<hbm>> -> memref<72x64xf32, #tpu.memory_space<hbm>>
      %dma_wait3A_101 = arith.constant 128 : i32
      %dma_wait3A_102 = arith.constant 0 : i32
      %dma_wait3A_103 = tpu.memref_slice %arg8[%dma_wait3A_101, %dma_wait3A_102] : memref<200x64xf32, #tpu.memory_space<vmem>> -> memref<72x64xf32, #tpu.memory_space<vmem>>
      %dma_wait3A_104 = arith.constant 0 : i32
      %dma_wait3A_105 = arith.constant 0 : i32
      %dma_wait3A_106 = tpu.memref_slice %arg3[%dma_wait3A_104, %dma_wait3A_105] : memref<1000000x64xf32, #tpu.memory_space<hbm>> -> memref<72x64xf32, #tpu.memory_space<hbm>>
      tpu.wait_dma2 semaphore(%arg16 : memref<!tpu.dma_semaphore, #tpu.memory_space<semaphore_mem>>) src(%dma_wait3A_106 : memref<72x64xf32, #tpu.memory_space<hbm>>) dst(%dma_wait3A_103 : memref<72x64xf32, #tpu.memory_space<vmem>>)
      %scan3A_107 = arith.constant 0 : i32
      %scan3A_108 = arith.constant 0 : i32
      %scan3A_109 = arith.constant 200 : i32
      %scan3A_110 = arith.addi %scan3A_108, %scan3A_109 : i32
      %scan3A_111 = arith.constant 1 : i32
      scf.for %scan3A_305 = %scan3A_108 to %scan3A_110 step %scan3A_111  : i32 {
        %get3A = arith.index_cast %scan3A_305 : i32 to index
        %get3A_306 = arith.constant 0 : index
        %get3A_307 = tpu.vector_load %arg7[%get3A, %get3A_306] {strides = array<i32>} : memref<200x64xf32, #tpu.memory_space<vmem>>, vector<1x16xf32>,
        %get3A_308 = vector.shape_cast %get3A_307 : vector<1x16xf32> to vector<16xf32>
        %swap3A = arith.index_cast %scan3A_305 : i32 to index
        %swap3A_309 = arith.constant 0 : index
        %swap3A_310 = tpu.vector_load %arg8[%swap3A, %swap3A_309] {strides = array<i32>} : memref<200x64xf32, #tpu.memory_space<vmem>>, vector<1x16xf32>,
        %swap3A_311 = vector.shape_cast %swap3A_310 : vector<1x16xf32> to vector<16xf32>
        %swap3A_312 = vector.shape_cast %get3A_308 : vector<16xf32> to vector<1x16xf32>
        tpu.vector_store %arg8[%swap3A, %swap3A_309], %swap3A_312 {add = true, strides = array<i32>} : memref<200x64xf32, #tpu.memory_space<vmem>>, vector<1x16xf32>,
        %get3A_313 = arith.index_cast %scan3A_305 : i32 to index
        %get3A_314 = arith.constant 16 : index
        %get3A_315 = tpu.vector_load %arg7[%get3A_313, %get3A_314] {strides = array<i32>} : memref<200x64xf32, #tpu.memory_space<vmem>>, vector<1x16xf32>,
        %get3A_316 = vector.shape_cast %get3A_315 : vector<1x16xf32> to vector<16xf32>
        %swap3A_317 = arith.index_cast %scan3A_305 : i32 to index
        %swap3A_318 = arith.constant 16 : index
        %swap3A_319 = tpu.vector_load %arg8[%swap3A_317, %swap3A_318] {strides = array<i32>} : memref<200x64xf32, #tpu.memory_space<vmem>>, vector<1x16xf32>,
        %swap3A_320 = vector.shape_cast %swap3A_319 : vector<1x16xf32> to vector<16xf32>
        %swap3A_321 = vector.shape_cast %get3A_316 : vector<16xf32> to vector<1x16xf32>
        tpu.vector_store %arg8[%swap3A_317, %swap3A_318], %swap3A_321 {add = true, strides = array<i32>} : memref<200x64xf32, #tpu.memory_space<vmem>>, vector<1x16xf32>,
        %get3A_322 = arith.index_cast %scan3A_305 : i32 to index
        %get3A_323 = arith.constant 32 : index
        %get3A_324 = tpu.vector_load %arg7[%get3A_322, %get3A_323] {strides = array<i32>} : memref<200x64xf32, #tpu.memory_space<vmem>>, vector<1x16xf32>,
        %get3A_325 = vector.shape_cast %get3A_324 : vector<1x16xf32> to vector<16xf32>
        %swap3A_326 = arith.index_cast %scan3A_305 : i32 to index
        %swap3A_327 = arith.constant 32 : index
        %swap3A_328 = tpu.vector_load %arg8[%swap3A_326, %swap3A_327] {strides = array<i32>} : memref<200x64xf32, #tpu.memory_space<vmem>>, vector<1x16xf32>,
        %swap3A_329 = vector.shape_cast %swap3A_328 : vector<1x16xf32> to vector<16xf32>
        %swap3A_330 = vector.shape_cast %get3A_325 : vector<16xf32> to vector<1x16xf32>
        tpu.vector_store %arg8[%swap3A_326, %swap3A_327], %swap3A_330 {add = true, strides = array<i32>} : memref<200x64xf32, #tpu.memory_space<vmem>>, vector<1x16xf32>,
        %get3A_331 = arith.index_cast %scan3A_305 : i32 to index
        %get3A_332 = arith.constant 48 : index
        %get3A_333 = tpu.vector_load %arg7[%get3A_331, %get3A_332] {strides = array<i32>} : memref<200x64xf32, #tpu.memory_space<vmem>>, vector<1x16xf32>,
        %get3A_334 = vector.shape_cast %get3A_333 : vector<1x16xf32> to vector<16xf32>
        %swap3A_335 = arith.index_cast %scan3A_305 : i32 to index
        %swap3A_336 = arith.constant 48 : index
        %swap3A_337 = tpu.vector_load %arg8[%swap3A_335, %swap3A_336] {strides = array<i32>} : memref<200x64xf32, #tpu.memory_space<vmem>>, vector<1x16xf32>,
        %swap3A_338 = vector.shape_cast %swap3A_337 : vector<1x16xf32> to vector<16xf32>
        %swap3A_339 = vector.shape_cast %get3A_334 : vector<16xf32> to vector<1x16xf32>
        tpu.vector_store %arg8[%swap3A_335, %swap3A_336], %swap3A_339 {add = true, strides = array<i32>} : memref<200x64xf32, #tpu.memory_space<vmem>>, vector<1x16xf32>,
      }
      %scan3A_112 = arith.constant 200 : i32
      %mul3A_113 = arith.constant 200 : i32
      %mul3A_114 = arith.muli %add3A_82, %mul3A_113 : i32
      %add3A_115 = arith.addi %mul3A_2, %mul3A_114 : i32
      %dma_start3A_116 = arith.constant 0 : i32
      %dma_start3A_117 = tpu.memref_slice %arg5[%add3A_115, %dma_start3A_116] : memref<819200x64xf32, #tpu.memory_space<hbm>> -> memref<200x64xf32, #tpu.memory_space<hbm>>
      %dma_start3A_118 = arith.constant 0 : i32
      %dma_start3A_119 = tpu.memref_slice %arg5[%add3A_115, %dma_start3A_118] : memref<819200x64xf32, #tpu.memory_space<hbm>> -> memref<200x64xf32, #tpu.memory_space<hbm>>
      tpu.enqueue_dma source(%arg8 : memref<200x64xf32, #tpu.memory_space<vmem>>) target(%dma_start3A_119 : memref<200x64xf32, #tpu.memory_space<hbm>>) target_semaphore(%arg20 : memref<!tpu.dma_semaphore, #tpu.memory_space<semaphore_mem>>)
      %add3A_120 = arith.constant 4 : i32
      %add3A_121 = arith.addi %add3A_82, %add3A_120 : i32
      %sub3A = arith.constant 1 : i32
      %sub3A_122 = arith.subi %add3A_121, %sub3A : i32
      %ge3A = arith.constant 1 : i32
      %ge3A_123 = arith.cmpi sge, %add3A_82, %ge3A : i32
      %lt3A = arith.constant 128 : i32
      %lt3A_124 = arith.cmpi slt, %sub3A_122, %lt3A : i32
      %and3A = arith.andi %ge3A_123, %lt3A_124 : i1
      %convert_element_type3A = arith.extui %and3A : i1 to i32
      %cond3A = arith.constant 0 : i32
      %cond3A_125 = arith.cmpi ne, %convert_element_type3A, %cond3A : i32
      scf.if %cond3A_125 {
        %dma_wait3A_305 = arith.constant 0 : i32
        %dma_wait3A_306 = arith.constant 0 : i32
        %dma_wait3A_307 = tpu.memref_slice %arg5[%dma_wait3A_305, %dma_wait3A_306] : memref<819200x64xf32, #tpu.memory_space<hbm>> -> memref<200x64xf32, #tpu.memory_space<hbm>>
        %dma_wait3A_308 = arith.constant 0 : i32
        %dma_wait3A_309 = arith.constant 0 : i32
        %dma_wait3A_310 = tpu.memref_slice %arg5[%dma_wait3A_308, %dma_wait3A_309] : memref<819200x64xf32, #tpu.memory_space<hbm>> -> memref<200x64xf32, #tpu.memory_space<hbm>>
        tpu.wait_dma2 semaphore(%arg23 : memref<!tpu.dma_semaphore, #tpu.memory_space<semaphore_mem>>) src(%arg11 : memref<200x64xf32, #tpu.memory_space<vmem>>) dst(%dma_wait3A_310 : memref<200x64xf32, #tpu.memory_space<hbm>>)
      } else {
      }
      %lt3A_126 = arith.constant 128 : i32
      %lt3A_127 = arith.cmpi slt, %sub3A_122, %lt3A_126 : i32
      %convert_element_type3A_128 = arith.extui %lt3A_127 : i1 to i32
      %cond3A_129 = arith.constant 0 : i32
      %cond3A_130 = arith.cmpi ne, %convert_element_type3A_128, %cond3A_129 : i32
      scf.if %cond3A_130 {
        %mul3A_305 = arith.constant 200 : i32
        %mul3A_306 = arith.muli %sub3A_122, %mul3A_305 : i32
        %dma_start3A_307 = arith.constant 0 : i32
        %dma_start3A_308 = arith.constant 0 : i32
        %dma_start3A_309 = tpu.memref_slice %arg11[%dma_start3A_307, %dma_start3A_308] : memref<200x64xf32, #tpu.memory_space<vmem>> -> memref<128x64xf32, #tpu.memory_space<vmem>>
        %dma_start3A_310 = tpu.memref_slice %arg6[%mul3A_306] : memref<25600xi32, #tpu.memory_space<vmem>> -> memref<128xi32, #tpu.memory_space<vmem>>
        %dma_start3A_311 = arith.constant 0 : i32
        %dma_start3A_312 = arith.constant 0 : i32
        %dma_start3A_313 = tpu.memref_slice %arg3[%dma_start3A_311, %dma_start3A_312] : memref<1000000x64xf32, #tpu.memory_space<hbm>> -> memref<1000000x64xf32, #tpu.memory_space<hbm>>
        tpu.enqueue_indirect_dma source(%dma_start3A_313 : memref<1000000x64xf32, #tpu.memory_space<hbm>>) target(%dma_start3A_309 : memref<128x64xf32, #tpu.memory_space<vmem>>) offsets(%dma_start3A_310 : memref<128xi32, #tpu.memory_space<vmem>>) semaphore(%arg15 : memref<!tpu.dma_semaphore, #tpu.memory_space<semaphore_mem>>)
        %add3A_314 = arith.constant 128 : i32
        %add3A_315 = arith.addi %mul3A_306, %add3A_314 : i32
        %dma_start3A_316 = arith.constant 128 : i32
        %dma_start3A_317 = arith.constant 0 : i32
        %dma_start3A_318 = tpu.memref_slice %arg11[%dma_start3A_316, %dma_start3A_317] : memref<200x64xf32, #tpu.memory_space<vmem>> -> memref<72x64xf32, #tpu.memory_space<vmem>>
        %dma_start3A_319 = tpu.memref_slice %arg6[%add3A_315] : memref<25600xi32, #tpu.memory_space<vmem>> -> memref<72xi32, #tpu.memory_space<vmem>>
        %dma_start3A_320 = arith.constant 0 : i32
        %dma_start3A_321 = arith.constant 0 : i32
        %dma_start3A_322 = tpu.memref_slice %arg3[%dma_start3A_320, %dma_start3A_321] : memref<1000000x64xf32, #tpu.memory_space<hbm>> -> memref<1000000x64xf32, #tpu.memory_space<hbm>>
        tpu.enqueue_indirect_dma source(%dma_start3A_322 : memref<1000000x64xf32, #tpu.memory_space<hbm>>) target(%dma_start3A_318 : memref<72x64xf32, #tpu.memory_space<vmem>>) offsets(%dma_start3A_319 : memref<72xi32, #tpu.memory_space<vmem>>) semaphore(%arg19 : memref<!tpu.dma_semaphore, #tpu.memory_space<semaphore_mem>>)
      } else {
      }
      %mul3A_131 = arith.constant 4 : i32
      %mul3A_132 = arith.muli %scan3A_78, %mul3A_131 : i32
      %add3A_133 = arith.constant 1 : i32
      %add3A_134 = arith.addi %mul3A_132, %add3A_133 : i32
      %dma_wait3A_135 = arith.constant 0 : i32
      %dma_wait3A_136 = arith.constant 0 : i32
      %dma_wait3A_137 = tpu.memref_slice %arg9[%dma_wait3A_135, %dma_wait3A_136] : memref<200x64xf32, #tpu.memory_space<vmem>> -> memref<128x64xf32, #tpu.memory_space<vmem>>
      %dma_wait3A_138 = arith.constant 0 : i32
      %dma_wait3A_139 = arith.constant 0 : i32
      %dma_wait3A_140 = tpu.memref_slice %arg3[%dma_wait3A_138, %dma_wait3A_139] : memref<1000000x64xf32, #tpu.memory_space<hbm>> -> memref<128x64xf32, #tpu.memory_space<hbm>>
      %dma_wait3A_141 = arith.constant 0 : i32
      %dma_wait3A_142 = arith.constant 0 : i32
      %dma_wait3A_143 = tpu.memref_slice %arg9[%dma_wait3A_141, %dma_wait3A_142] : memref<200x64xf32, #tpu.memory_space<vmem>> -> memref<128x64xf32, #tpu.memory_space<vmem>>
      %dma_wait3A_144 = arith.constant 0 : i32
      %dma_wait3A_145 = arith.constant 0 : i32
      %dma_wait3A_146 = tpu.memref_slice %arg3[%dma_wait3A_144, %dma_wait3A_145] : memref<1000000x64xf32, #tpu.memory_space<hbm>> -> memref<128x64xf32, #tpu.memory_space<hbm>>
      tpu.wait_dma2 semaphore(%arg13 : memref<!tpu.dma_semaphore, #tpu.memory_space<semaphore_mem>>) src(%dma_wait3A_146 : memref<128x64xf32, #tpu.memory_space<hbm>>) dst(%dma_wait3A_143 : memref<128x64xf32, #tpu.memory_space<vmem>>)
      %dma_wait3A_147 = arith.constant 128 : i32
      %dma_wait3A_148 = arith.constant 0 : i32
      %dma_wait3A_149 = tpu.memref_slice %arg9[%dma_wait3A_147, %dma_wait3A_148] : memref<200x64xf32, #tpu.memory_space<vmem>> -> memref<72x64xf32, #tpu.memory_space<vmem>>
      %dma_wait3A_150 = arith.constant 0 : i32
      %dma_wait3A_151 = arith.constant 0 : i32
      %dma_wait3A_152 = tpu.memref_slice %arg3[%dma_wait3A_150, %dma_wait3A_151] : memref<1000000x64xf32, #tpu.memory_space<hbm>> -> memref<72x64xf32, #tpu.memory_space<hbm>>
      %dma_wait3A_153 = arith.constant 128 : i32
      %dma_wait3A_154 = arith.constant 0 : i32
      %dma_wait3A_155 = tpu.memref_slice %arg9[%dma_wait3A_153, %dma_wait3A_154] : memref<200x64xf32, #tpu.memory_space<vmem>> -> memref<72x64xf32, #tpu.memory_space<vmem>>
      %dma_wait3A_156 = arith.constant 0 : i32
      %dma_wait3A_157 = arith.constant 0 : i32
      %dma_wait3A_158 = tpu.memref_slice %arg3[%dma_wait3A_156, %dma_wait3A_157] : memref<1000000x64xf32, #tpu.memory_space<hbm>> -> memref<72x64xf32, #tpu.memory_space<hbm>>
      tpu.wait_dma2 semaphore(%arg17 : memref<!tpu.dma_semaphore, #tpu.memory_space<semaphore_mem>>) src(%dma_wait3A_158 : memref<72x64xf32, #tpu.memory_space<hbm>>) dst(%dma_wait3A_155 : memref<72x64xf32, #tpu.memory_space<vmem>>)
      %scan3A_159 = arith.constant 0 : i32
      %scan3A_160 = arith.constant 0 : i32
      %scan3A_161 = arith.constant 200 : i32
      %scan3A_162 = arith.addi %scan3A_160, %scan3A_161 : i32
      %scan3A_163 = arith.constant 1 : i32
      scf.for %scan3A_305 = %scan3A_160 to %scan3A_162 step %scan3A_163  : i32 {
        %get3A = arith.index_cast %scan3A_305 : i32 to index
        %get3A_306 = arith.constant 0 : index
        %get3A_307 = tpu.vector_load %arg7[%get3A, %get3A_306] {strides = array<i32>} : memref<200x64xf32, #tpu.memory_space<vmem>>, vector<1x16xf32>,
        %get3A_308 = vector.shape_cast %get3A_307 : vector<1x16xf32> to vector<16xf32>
        %swap3A = arith.index_cast %scan3A_305 : i32 to index
        %swap3A_309 = arith.constant 0 : index
        %swap3A_310 = tpu.vector_load %arg9[%swap3A, %swap3A_309] {strides = array<i32>} : memref<200x64xf32, #tpu.memory_space<vmem>>, vector<1x16xf32>,
        %swap3A_311 = vector.shape_cast %swap3A_310 : vector<1x16xf32> to vector<16xf32>
        %swap3A_312 = vector.shape_cast %get3A_308 : vector<16xf32> to vector<1x16xf32>
        tpu.vector_store %arg9[%swap3A, %swap3A_309], %swap3A_312 {add = true, strides = array<i32>} : memref<200x64xf32, #tpu.memory_space<vmem>>, vector<1x16xf32>,
        %get3A_313 = arith.index_cast %scan3A_305 : i32 to index
        %get3A_314 = arith.constant 16 : index
        %get3A_315 = tpu.vector_load %arg7[%get3A_313, %get3A_314] {strides = array<i32>} : memref<200x64xf32, #tpu.memory_space<vmem>>, vector<1x16xf32>,
        %get3A_316 = vector.shape_cast %get3A_315 : vector<1x16xf32> to vector<16xf32>
        %swap3A_317 = arith.index_cast %scan3A_305 : i32 to index
        %swap3A_318 = arith.constant 16 : index
        %swap3A_319 = tpu.vector_load %arg9[%swap3A_317, %swap3A_318] {strides = array<i32>} : memref<200x64xf32, #tpu.memory_space<vmem>>, vector<1x16xf32>,
        %swap3A_320 = vector.shape_cast %swap3A_319 : vector<1x16xf32> to vector<16xf32>
        %swap3A_321 = vector.shape_cast %get3A_316 : vector<16xf32> to vector<1x16xf32>
        tpu.vector_store %arg9[%swap3A_317, %swap3A_318], %swap3A_321 {add = true, strides = array<i32>} : memref<200x64xf32, #tpu.memory_space<vmem>>, vector<1x16xf32>,
        %get3A_322 = arith.index_cast %scan3A_305 : i32 to index
        %get3A_323 = arith.constant 32 : index
        %get3A_324 = tpu.vector_load %arg7[%get3A_322, %get3A_323] {strides = array<i32>} : memref<200x64xf32, #tpu.memory_space<vmem>>, vector<1x16xf32>,
        %get3A_325 = vector.shape_cast %get3A_324 : vector<1x16xf32> to vector<16xf32>
        %swap3A_326 = arith.index_cast %scan3A_305 : i32 to index
        %swap3A_327 = arith.constant 32 : index
        %swap3A_328 = tpu.vector_load %arg9[%swap3A_326, %swap3A_327] {strides = array<i32>} : memref<200x64xf32, #tpu.memory_space<vmem>>, vector<1x16xf32>,
        %swap3A_329 = vector.shape_cast %swap3A_328 : vector<1x16xf32> to vector<16xf32>
        %swap3A_330 = vector.shape_cast %get3A_325 : vector<16xf32> to vector<1x16xf32>
        tpu.vector_store %arg9[%swap3A_326, %swap3A_327], %swap3A_330 {add = true, strides = array<i32>} : memref<200x64xf32, #tpu.memory_space<vmem>>, vector<1x16xf32>,
        %get3A_331 = arith.index_cast %scan3A_305 : i32 to index
        %get3A_332 = arith.constant 48 : index
        %get3A_333 = tpu.vector_load %arg7[%get3A_331, %get3A_332] {strides = array<i32>} : memref<200x64xf32, #tpu.memory_space<vmem>>, vector<1x16xf32>,
        %get3A_334 = vector.shape_cast %get3A_333 : vector<1x16xf32> to vector<16xf32>
        %swap3A_335 = arith.index_cast %scan3A_305 : i32 to index
        %swap3A_336 = arith.constant 48 : index
        %swap3A_337 = tpu.vector_load %arg9[%swap3A_335, %swap3A_336] {strides = array<i32>} : memref<200x64xf32, #tpu.memory_space<vmem>>, vector<1x16xf32>,
        %swap3A_338 = vector.shape_cast %swap3A_337 : vector<1x16xf32> to vector<16xf32>
        %swap3A_339 = vector.shape_cast %get3A_334 : vector<16xf32> to vector<1x16xf32>
        tpu.vector_store %arg9[%swap3A_335, %swap3A_336], %swap3A_339 {add = true, strides = array<i32>} : memref<200x64xf32, #tpu.memory_space<vmem>>, vector<1x16xf32>,
      }
      %scan3A_164 = arith.constant 200 : i32
      %mul3A_165 = arith.constant 200 : i32
      %mul3A_166 = arith.muli %add3A_134, %mul3A_165 : i32
      %add3A_167 = arith.addi %mul3A_2, %mul3A_166 : i32
      %dma_start3A_168 = arith.constant 0 : i32
      %dma_start3A_169 = tpu.memref_slice %arg5[%add3A_167, %dma_start3A_168] : memref<819200x64xf32, #tpu.memory_space<hbm>> -> memref<200x64xf32, #tpu.memory_space<hbm>>
      %dma_start3A_170 = arith.constant 0 : i32
      %dma_start3A_171 = tpu.memref_slice %arg5[%add3A_167, %dma_start3A_170] : memref<819200x64xf32, #tpu.memory_space<hbm>> -> memref<200x64xf32, #tpu.memory_space<hbm>>
      tpu.enqueue_dma source(%arg9 : memref<200x64xf32, #tpu.memory_space<vmem>>) target(%dma_start3A_171 : memref<200x64xf32, #tpu.memory_space<hbm>>) target_semaphore(%arg21 : memref<!tpu.dma_semaphore, #tpu.memory_space<semaphore_mem>>)
      %add3A_172 = arith.constant 4 : i32
      %add3A_173 = arith.addi %add3A_134, %add3A_172 : i32
      %sub3A_174 = arith.constant 1 : i32
      %sub3A_175 = arith.subi %add3A_173, %sub3A_174 : i32
      %ge3A_176 = arith.constant 1 : i32
      %ge3A_177 = arith.cmpi sge, %add3A_134, %ge3A_176 : i32
      %lt3A_178 = arith.constant 128 : i32
      %lt3A_179 = arith.cmpi slt, %sub3A_175, %lt3A_178 : i32
      %and3A_180 = arith.andi %ge3A_177, %lt3A_179 : i1
      %convert_element_type3A_181 = arith.extui %and3A_180 : i1 to i32
      %cond3A_182 = arith.constant 0 : i32
      %cond3A_183 = arith.cmpi ne, %convert_element_type3A_181, %cond3A_182 : i32
      scf.if %cond3A_183 {
        %dma_wait3A_305 = arith.constant 0 : i32
        %dma_wait3A_306 = arith.constant 0 : i32
        %dma_wait3A_307 = tpu.memref_slice %arg5[%dma_wait3A_305, %dma_wait3A_306] : memref<819200x64xf32, #tpu.memory_space<hbm>> -> memref<200x64xf32, #tpu.memory_space<hbm>>
        %dma_wait3A_308 = arith.constant 0 : i32
        %dma_wait3A_309 = arith.constant 0 : i32
        %dma_wait3A_310 = tpu.memref_slice %arg5[%dma_wait3A_308, %dma_wait3A_309] : memref<819200x64xf32, #tpu.memory_space<hbm>> -> memref<200x64xf32, #tpu.memory_space<hbm>>
        tpu.wait_dma2 semaphore(%arg20 : memref<!tpu.dma_semaphore, #tpu.memory_space<semaphore_mem>>) src(%arg8 : memref<200x64xf32, #tpu.memory_space<vmem>>) dst(%dma_wait3A_310 : memref<200x64xf32, #tpu.memory_space<hbm>>)
      } else {
      }
      %lt3A_184 = arith.constant 128 : i32
      %lt3A_185 = arith.cmpi slt, %sub3A_175, %lt3A_184 : i32
      %convert_element_type3A_186 = arith.extui %lt3A_185 : i1 to i32
      %cond3A_187 = arith.constant 0 : i32
      %cond3A_188 = arith.cmpi ne, %convert_element_type3A_186, %cond3A_187 : i32
      scf.if %cond3A_188 {
        %mul3A_305 = arith.constant 200 : i32
        %mul3A_306 = arith.muli %sub3A_175, %mul3A_305 : i32
        %dma_start3A_307 = arith.constant 0 : i32
        %dma_start3A_308 = arith.constant 0 : i32
        %dma_start3A_309 = tpu.memref_slice %arg8[%dma_start3A_307, %dma_start3A_308] : memref<200x64xf32, #tpu.memory_space<vmem>> -> memref<128x64xf32, #tpu.memory_space<vmem>>
        %dma_start3A_310 = tpu.memref_slice %arg6[%mul3A_306] : memref<25600xi32, #tpu.memory_space<vmem>> -> memref<128xi32, #tpu.memory_space<vmem>>
        %dma_start3A_311 = arith.constant 0 : i32
        %dma_start3A_312 = arith.constant 0 : i32
        %dma_start3A_313 = tpu.memref_slice %arg3[%dma_start3A_311, %dma_start3A_312] : memref<1000000x64xf32, #tpu.memory_space<hbm>> -> memref<1000000x64xf32, #tpu.memory_space<hbm>>
        tpu.enqueue_indirect_dma source(%dma_start3A_313 : memref<1000000x64xf32, #tpu.memory_space<hbm>>) target(%dma_start3A_309 : memref<128x64xf32, #tpu.memory_space<vmem>>) offsets(%dma_start3A_310 : memref<128xi32, #tpu.memory_space<vmem>>) semaphore(%arg12 : memref<!tpu.dma_semaphore, #tpu.memory_space<semaphore_mem>>)
        %add3A_314 = arith.constant 128 : i32
        %add3A_315 = arith.addi %mul3A_306, %add3A_314 : i32
        %dma_start3A_316 = arith.constant 128 : i32
        %dma_start3A_317 = arith.constant 0 : i32
        %dma_start3A_318 = tpu.memref_slice %arg8[%dma_start3A_316, %dma_start3A_317] : memref<200x64xf32, #tpu.memory_space<vmem>> -> memref<72x64xf32, #tpu.memory_space<vmem>>
        %dma_start3A_319 = tpu.memref_slice %arg6[%add3A_315] : memref<25600xi32, #tpu.memory_space<vmem>> -> memref<72xi32, #tpu.memory_space<vmem>>
        %dma_start3A_320 = arith.constant 0 : i32
        %dma_start3A_321 = arith.constant 0 : i32
        %dma_start3A_322 = tpu.memref_slice %arg3[%dma_start3A_320, %dma_start3A_321] : memref<1000000x64xf32, #tpu.memory_space<hbm>> -> memref<1000000x64xf32, #tpu.memory_space<hbm>>
        tpu.enqueue_indirect_dma source(%dma_start3A_322 : memref<1000000x64xf32, #tpu.memory_space<hbm>>) target(%dma_start3A_318 : memref<72x64xf32, #tpu.memory_space<vmem>>) offsets(%dma_start3A_319 : memref<72xi32, #tpu.memory_space<vmem>>) semaphore(%arg16 : memref<!tpu.dma_semaphore, #tpu.memory_space<semaphore_mem>>)
      } else {
      }
      %mul3A_189 = arith.constant 4 : i32
      %mul3A_190 = arith.muli %scan3A_78, %mul3A_189 : i32
      %add3A_191 = arith.constant 2 : i32
      %add3A_192 = arith.addi %mul3A_190, %add3A_191 : i32
      %dma_wait3A_193 = arith.constant 0 : i32
      %dma_wait3A_194 = arith.constant 0 : i32
      %dma_wait3A_195 = tpu.memref_slice %arg10[%dma_wait3A_193, %dma_wait3A_194] : memref<200x64xf32, #tpu.memory_space<vmem>> -> memref<128x64xf32, #tpu.memory_space<vmem>>
      %dma_wait3A_196 = arith.constant 0 : i32
      %dma_wait3A_197 = arith.constant 0 : i32
      %dma_wait3A_198 = tpu.memref_slice %arg3[%dma_wait3A_196, %dma_wait3A_197] : memref<1000000x64xf32, #tpu.memory_space<hbm>> -> memref<128x64xf32, #tpu.memory_space<hbm>>
      %dma_wait3A_199 = arith.constant 0 : i32
      %dma_wait3A_200 = arith.constant 0 : i32
      %dma_wait3A_201 = tpu.memref_slice %arg10[%dma_wait3A_199, %dma_wait3A_200] : memref<200x64xf32, #tpu.memory_space<vmem>> -> memref<128x64xf32, #tpu.memory_space<vmem>>
      %dma_wait3A_202 = arith.constant 0 : i32
      %dma_wait3A_203 = arith.constant 0 : i32
      %dma_wait3A_204 = tpu.memref_slice %arg3[%dma_wait3A_202, %dma_wait3A_203] : memref<1000000x64xf32, #tpu.memory_space<hbm>> -> memref<128x64xf32, #tpu.memory_space<hbm>>
      tpu.wait_dma2 semaphore(%arg14 : memref<!tpu.dma_semaphore, #tpu.memory_space<semaphore_mem>>) src(%dma_wait3A_204 : memref<128x64xf32, #tpu.memory_space<hbm>>) dst(%dma_wait3A_201 : memref<128x64xf32, #tpu.memory_space<vmem>>)
      %dma_wait3A_205 = arith.constant 128 : i32
      %dma_wait3A_206 = arith.constant 0 : i32
      %dma_wait3A_207 = tpu.memref_slice %arg10[%dma_wait3A_205, %dma_wait3A_206] : memref<200x64xf32, #tpu.memory_space<vmem>> -> memref<72x64xf32, #tpu.memory_space<vmem>>
      %dma_wait3A_208 = arith.constant 0 : i32
      %dma_wait3A_209 = arith.constant 0 : i32
      %dma_wait3A_210 = tpu.memref_slice %arg3[%dma_wait3A_208, %dma_wait3A_209] : memref<1000000x64xf32, #tpu.memory_space<hbm>> -> memref<72x64xf32, #tpu.memory_space<hbm>>
      %dma_wait3A_211 = arith.constant 128 : i32
      %dma_wait3A_212 = arith.constant 0 : i32
      %dma_wait3A_213 = tpu.memref_slice %arg10[%dma_wait3A_211, %dma_wait3A_212] : memref<200x64xf32, #tpu.memory_space<vmem>> -> memref<72x64xf32, #tpu.memory_space<vmem>>
      %dma_wait3A_214 = arith.constant 0 : i32
      %dma_wait3A_215 = arith.constant 0 : i32
      %dma_wait3A_216 = tpu.memref_slice %arg3[%dma_wait3A_214, %dma_wait3A_215] : memref<1000000x64xf32, #tpu.memory_space<hbm>> -> memref<72x64xf32, #tpu.memory_space<hbm>>
      tpu.wait_dma2 semaphore(%arg18 : memref<!tpu.dma_semaphore, #tpu.memory_space<semaphore_mem>>) src(%dma_wait3A_216 : memref<72x64xf32, #tpu.memory_space<hbm>>) dst(%dma_wait3A_213 : memref<72x64xf32, #tpu.memory_space<vmem>>)
      %scan3A_217 = arith.constant 0 : i32
      %scan3A_218 = arith.constant 0 : i32
      %scan3A_219 = arith.constant 200 : i32
      %scan3A_220 = arith.addi %scan3A_218, %scan3A_219 : i32
      %scan3A_221 = arith.constant 1 : i32
      scf.for %scan3A_305 = %scan3A_218 to %scan3A_220 step %scan3A_221  : i32 {
        %get3A = arith.index_cast %scan3A_305 : i32 to index
        %get3A_306 = arith.constant 0 : index
        %get3A_307 = tpu.vector_load %arg7[%get3A, %get3A_306] {strides = array<i32>} : memref<200x64xf32, #tpu.memory_space<vmem>>, vector<1x16xf32>,
        %get3A_308 = vector.shape_cast %get3A_307 : vector<1x16xf32> to vector<16xf32>
        %swap3A = arith.index_cast %scan3A_305 : i32 to index
        %swap3A_309 = arith.constant 0 : index
        %swap3A_310 = tpu.vector_load %arg10[%swap3A, %swap3A_309] {strides = array<i32>} : memref<200x64xf32, #tpu.memory_space<vmem>>, vector<1x16xf32>,
        %swap3A_311 = vector.shape_cast %swap3A_310 : vector<1x16xf32> to vector<16xf32>
        %swap3A_312 = vector.shape_cast %get3A_308 : vector<16xf32> to vector<1x16xf32>
        tpu.vector_store %arg10[%swap3A, %swap3A_309], %swap3A_312 {add = true, strides = array<i32>} : memref<200x64xf32, #tpu.memory_space<vmem>>, vector<1x16xf32>,
        %get3A_313 = arith.index_cast %scan3A_305 : i32 to index
        %get3A_314 = arith.constant 16 : index
        %get3A_315 = tpu.vector_load %arg7[%get3A_313, %get3A_314] {strides = array<i32>} : memref<200x64xf32, #tpu.memory_space<vmem>>, vector<1x16xf32>,
        %get3A_316 = vector.shape_cast %get3A_315 : vector<1x16xf32> to vector<16xf32>
        %swap3A_317 = arith.index_cast %scan3A_305 : i32 to index
        %swap3A_318 = arith.constant 16 : index
        %swap3A_319 = tpu.vector_load %arg10[%swap3A_317, %swap3A_318] {strides = array<i32>} : memref<200x64xf32, #tpu.memory_space<vmem>>, vector<1x16xf32>,
        %swap3A_320 = vector.shape_cast %swap3A_319 : vector<1x16xf32> to vector<16xf32>
        %swap3A_321 = vector.shape_cast %get3A_316 : vector<16xf32> to vector<1x16xf32>
        tpu.vector_store %arg10[%swap3A_317, %swap3A_318], %swap3A_321 {add = true, strides = array<i32>} : memref<200x64xf32, #tpu.memory_space<vmem>>, vector<1x16xf32>,
        %get3A_322 = arith.index_cast %scan3A_305 : i32 to index
        %get3A_323 = arith.constant 32 : index
        %get3A_324 = tpu.vector_load %arg7[%get3A_322, %get3A_323] {strides = array<i32>} : memref<200x64xf32, #tpu.memory_space<vmem>>, vector<1x16xf32>,
        %get3A_325 = vector.shape_cast %get3A_324 : vector<1x16xf32> to vector<16xf32>
        %swap3A_326 = arith.index_cast %scan3A_305 : i32 to index
        %swap3A_327 = arith.constant 32 : index
        %swap3A_328 = tpu.vector_load %arg10[%swap3A_326, %swap3A_327] {strides = array<i32>} : memref<200x64xf32, #tpu.memory_space<vmem>>, vector<1x16xf32>,
        %swap3A_329 = vector.shape_cast %swap3A_328 : vector<1x16xf32> to vector<16xf32>
        %swap3A_330 = vector.shape_cast %get3A_325 : vector<16xf32> to vector<1x16xf32>
        tpu.vector_store %arg10[%swap3A_326, %swap3A_327], %swap3A_330 {add = true, strides = array<i32>} : memref<200x64xf32, #tpu.memory_space<vmem>>, vector<1x16xf32>,
        %get3A_331 = arith.index_cast %scan3A_305 : i32 to index
        %get3A_332 = arith.constant 48 : index
        %get3A_333 = tpu.vector_load %arg7[%get3A_331, %get3A_332] {strides = array<i32>} : memref<200x64xf32, #tpu.memory_space<vmem>>, vector<1x16xf32>,
        %get3A_334 = vector.shape_cast %get3A_333 : vector<1x16xf32> to vector<16xf32>
        %swap3A_335 = arith.index_cast %scan3A_305 : i32 to index
        %swap3A_336 = arith.constant 48 : index
        %swap3A_337 = tpu.vector_load %arg10[%swap3A_335, %swap3A_336] {strides = array<i32>} : memref<200x64xf32, #tpu.memory_space<vmem>>, vector<1x16xf32>,
        %swap3A_338 = vector.shape_cast %swap3A_337 : vector<1x16xf32> to vector<16xf32>
        %swap3A_339 = vector.shape_cast %get3A_334 : vector<16xf32> to vector<1x16xf32>
        tpu.vector_store %arg10[%swap3A_335, %swap3A_336], %swap3A_339 {add = true, strides = array<i32>} : memref<200x64xf32, #tpu.memory_space<vmem>>, vector<1x16xf32>,
      }
      %scan3A_222 = arith.constant 200 : i32
      %mul3A_223 = arith.constant 200 : i32
      %mul3A_224 = arith.muli %add3A_192, %mul3A_223 : i32
      %add3A_225 = arith.addi %mul3A_2, %mul3A_224 : i32
      %dma_start3A_226 = arith.constant 0 : i32
      %dma_start3A_227 = tpu.memref_slice %arg5[%add3A_225, %dma_start3A_226] : memref<819200x64xf32, #tpu.memory_space<hbm>> -> memref<200x64xf32, #tpu.memory_space<hbm>>
      %dma_start3A_228 = arith.constant 0 : i32
      %dma_start3A_229 = tpu.memref_slice %arg5[%add3A_225, %dma_start3A_228] : memref<819200x64xf32, #tpu.memory_space<hbm>> -> memref<200x64xf32, #tpu.memory_space<hbm>>
      tpu.enqueue_dma source(%arg10 : memref<200x64xf32, #tpu.memory_space<vmem>>) target(%dma_start3A_229 : memref<200x64xf32, #tpu.memory_space<hbm>>) target_semaphore(%arg22 : memref<!tpu.dma_semaphore, #tpu.memory_space<semaphore_mem>>)
      %add3A_230 = arith.constant 4 : i32
      %add3A_231 = arith.addi %add3A_192, %add3A_230 : i32
      %sub3A_232 = arith.constant 1 : i32
      %sub3A_233 = arith.subi %add3A_231, %sub3A_232 : i32
      %ge3A_234 = arith.constant 1 : i32
      %ge3A_235 = arith.cmpi sge, %add3A_192, %ge3A_234 : i32
      %lt3A_236 = arith.constant 128 : i32
      %lt3A_237 = arith.cmpi slt, %sub3A_233, %lt3A_236 : i32
      %and3A_238 = arith.andi %ge3A_235, %lt3A_237 : i1
      %convert_element_type3A_239 = arith.extui %and3A_238 : i1 to i32
      %cond3A_240 = arith.constant 0 : i32
      %cond3A_241 = arith.cmpi ne, %convert_element_type3A_239, %cond3A_240 : i32
      scf.if %cond3A_241 {
        %dma_wait3A_305 = arith.constant 0 : i32
        %dma_wait3A_306 = arith.constant 0 : i32
        %dma_wait3A_307 = tpu.memref_slice %arg5[%dma_wait3A_305, %dma_wait3A_306] : memref<819200x64xf32, #tpu.memory_space<hbm>> -> memref<200x64xf32, #tpu.memory_space<hbm>>
        %dma_wait3A_308 = arith.constant 0 : i32
        %dma_wait3A_309 = arith.constant 0 : i32
        %dma_wait3A_310 = tpu.memref_slice %arg5[%dma_wait3A_308, %dma_wait3A_309] : memref<819200x64xf32, #tpu.memory_space<hbm>> -> memref<200x64xf32, #tpu.memory_space<hbm>>
        tpu.wait_dma2 semaphore(%arg21 : memref<!tpu.dma_semaphore, #tpu.memory_space<semaphore_mem>>) src(%arg9 : memref<200x64xf32, #tpu.memory_space<vmem>>) dst(%dma_wait3A_310 : memref<200x64xf32, #tpu.memory_space<hbm>>)
      } else {
      }
      %lt3A_242 = arith.constant 128 : i32
      %lt3A_243 = arith.cmpi slt, %sub3A_233, %lt3A_242 : i32
      %convert_element_type3A_244 = arith.extui %lt3A_243 : i1 to i32
      %cond3A_245 = arith.constant 0 : i32
      %cond3A_246 = arith.cmpi ne, %convert_element_type3A_244, %cond3A_245 : i32
      scf.if %cond3A_246 {
        %mul3A_305 = arith.constant 200 : i32
        %mul3A_306 = arith.muli %sub3A_233, %mul3A_305 : i32
        %dma_start3A_307 = arith.constant 0 : i32
        %dma_start3A_308 = arith.constant 0 : i32
        %dma_start3A_309 = tpu.memref_slice %arg9[%dma_start3A_307, %dma_start3A_308] : memref<200x64xf32, #tpu.memory_space<vmem>> -> memref<128x64xf32, #tpu.memory_space<vmem>>
        %dma_start3A_310 = tpu.memref_slice %arg6[%mul3A_306] : memref<25600xi32, #tpu.memory_space<vmem>> -> memref<128xi32, #tpu.memory_space<vmem>>
        %dma_start3A_311 = arith.constant 0 : i32
        %dma_start3A_312 = arith.constant 0 : i32
        %dma_start3A_313 = tpu.memref_slice %arg3[%dma_start3A_311, %dma_start3A_312] : memref<1000000x64xf32, #tpu.memory_space<hbm>> -> memref<1000000x64xf32, #tpu.memory_space<hbm>>
        tpu.enqueue_indirect_dma source(%dma_start3A_313 : memref<1000000x64xf32, #tpu.memory_space<hbm>>) target(%dma_start3A_309 : memref<128x64xf32, #tpu.memory_space<vmem>>) offsets(%dma_start3A_310 : memref<128xi32, #tpu.memory_space<vmem>>) semaphore(%arg13 : memref<!tpu.dma_semaphore, #tpu.memory_space<semaphore_mem>>)
        %add3A_314 = arith.constant 128 : i32
        %add3A_315 = arith.addi %mul3A_306, %add3A_314 : i32
        %dma_start3A_316 = arith.constant 128 : i32
        %dma_start3A_317 = arith.constant 0 : i32
        %dma_start3A_318 = tpu.memref_slice %arg9[%dma_start3A_316, %dma_start3A_317] : memref<200x64xf32, #tpu.memory_space<vmem>> -> memref<72x64xf32, #tpu.memory_space<vmem>>
        %dma_start3A_319 = tpu.memref_slice %arg6[%add3A_315] : memref<25600xi32, #tpu.memory_space<vmem>> -> memref<72xi32, #tpu.memory_space<vmem>>
        %dma_start3A_320 = arith.constant 0 : i32
        %dma_start3A_321 = arith.constant 0 : i32
        %dma_start3A_322 = tpu.memref_slice %arg3[%dma_start3A_320, %dma_start3A_321] : memref<1000000x64xf32, #tpu.memory_space<hbm>> -> memref<1000000x64xf32, #tpu.memory_space<hbm>>
        tpu.enqueue_indirect_dma source(%dma_start3A_322 : memref<1000000x64xf32, #tpu.memory_space<hbm>>) target(%dma_start3A_318 : memref<72x64xf32, #tpu.memory_space<vmem>>) offsets(%dma_start3A_319 : memref<72xi32, #tpu.memory_space<vmem>>) semaphore(%arg17 : memref<!tpu.dma_semaphore, #tpu.memory_space<semaphore_mem>>)
      } else {
      }
      %mul3A_247 = arith.constant 4 : i32
      %mul3A_248 = arith.muli %scan3A_78, %mul3A_247 : i32
      %add3A_249 = arith.constant 3 : i32
      %add3A_250 = arith.addi %mul3A_248, %add3A_249 : i32
      %dma_wait3A_251 = arith.constant 0 : i32
      %dma_wait3A_252 = arith.constant 0 : i32
      %dma_wait3A_253 = tpu.memref_slice %arg11[%dma_wait3A_251, %dma_wait3A_252] : memref<200x64xf32, #tpu.memory_space<vmem>> -> memref<128x64xf32, #tpu.memory_space<vmem>>
      %dma_wait3A_254 = arith.constant 0 : i32
      %dma_wait3A_255 = arith.constant 0 : i32
      %dma_wait3A_256 = tpu.memref_slice %arg3[%dma_wait3A_254, %dma_wait3A_255] : memref<1000000x64xf32, #tpu.memory_space<hbm>> -> memref<128x64xf32, #tpu.memory_space<hbm>>
      %dma_wait3A_257 = arith.constant 0 : i32
      %dma_wait3A_258 = arith.constant 0 : i32
      %dma_wait3A_259 = tpu.memref_slice %arg11[%dma_wait3A_257, %dma_wait3A_258] : memref<200x64xf32, #tpu.memory_space<vmem>> -> memref<128x64xf32, #tpu.memory_space<vmem>>
      %dma_wait3A_260 = arith.constant 0 : i32
      %dma_wait3A_261 = arith.constant 0 : i32
      %dma_wait3A_262 = tpu.memref_slice %arg3[%dma_wait3A_260, %dma_wait3A_261] : memref<1000000x64xf32, #tpu.memory_space<hbm>> -> memref<128x64xf32, #tpu.memory_space<hbm>>
      tpu.wait_dma2 semaphore(%arg15 : memref<!tpu.dma_semaphore, #tpu.memory_space<semaphore_mem>>) src(%dma_wait3A_262 : memref<128x64xf32, #tpu.memory_space<hbm>>) dst(%dma_wait3A_259 : memref<128x64xf32, #tpu.memory_space<vmem>>)
      %dma_wait3A_263 = arith.constant 128 : i32
      %dma_wait3A_264 = arith.constant 0 : i32
      %dma_wait3A_265 = tpu.memref_slice %arg11[%dma_wait3A_263, %dma_wait3A_264] : memref<200x64xf32, #tpu.memory_space<vmem>> -> memref<72x64xf32, #tpu.memory_space<vmem>>
      %dma_wait3A_266 = arith.constant 0 : i32
      %dma_wait3A_267 = arith.constant 0 : i32
      %dma_wait3A_268 = tpu.memref_slice %arg3[%dma_wait3A_266, %dma_wait3A_267] : memref<1000000x64xf32, #tpu.memory_space<hbm>> -> memref<72x64xf32, #tpu.memory_space<hbm>>
      %dma_wait3A_269 = arith.constant 128 : i32
      %dma_wait3A_270 = arith.constant 0 : i32
      %dma_wait3A_271 = tpu.memref_slice %arg11[%dma_wait3A_269, %dma_wait3A_270] : memref<200x64xf32, #tpu.memory_space<vmem>> -> memref<72x64xf32, #tpu.memory_space<vmem>>
      %dma_wait3A_272 = arith.constant 0 : i32
      %dma_wait3A_273 = arith.constant 0 : i32
      %dma_wait3A_274 = tpu.memref_slice %arg3[%dma_wait3A_272, %dma_wait3A_273] : memref<1000000x64xf32, #tpu.memory_space<hbm>> -> memref<72x64xf32, #tpu.memory_space<hbm>>
      tpu.wait_dma2 semaphore(%arg19 : memref<!tpu.dma_semaphore, #tpu.memory_space<semaphore_mem>>) src(%dma_wait3A_274 : memref<72x64xf32, #tpu.memory_space<hbm>>) dst(%dma_wait3A_271 : memref<72x64xf32, #tpu.memory_space<vmem>>)
      %scan3A_275 = arith.constant 0 : i32
      %scan3A_276 = arith.constant 0 : i32
      %scan3A_277 = arith.constant 200 : i32
      %scan3A_278 = arith.addi %scan3A_276, %scan3A_277 : i32
      %scan3A_279 = arith.constant 1 : i32
      scf.for %scan3A_305 = %scan3A_276 to %scan3A_278 step %scan3A_279  : i32 {
        %get3A = arith.index_cast %scan3A_305 : i32 to index
        %get3A_306 = arith.constant 0 : index
        %get3A_307 = tpu.vector_load %arg7[%get3A, %get3A_306] {strides = array<i32>} : memref<200x64xf32, #tpu.memory_space<vmem>>, vector<1x16xf32>,
        %get3A_308 = vector.shape_cast %get3A_307 : vector<1x16xf32> to vector<16xf32>
        %swap3A = arith.index_cast %scan3A_305 : i32 to index
        %swap3A_309 = arith.constant 0 : index
        %swap3A_310 = tpu.vector_load %arg11[%swap3A, %swap3A_309] {strides = array<i32>} : memref<200x64xf32, #tpu.memory_space<vmem>>, vector<1x16xf32>,
        %swap3A_311 = vector.shape_cast %swap3A_310 : vector<1x16xf32> to vector<16xf32>
        %swap3A_312 = vector.shape_cast %get3A_308 : vector<16xf32> to vector<1x16xf32>
        tpu.vector_store %arg11[%swap3A, %swap3A_309], %swap3A_312 {add = true, strides = array<i32>} : memref<200x64xf32, #tpu.memory_space<vmem>>, vector<1x16xf32>,
        %get3A_313 = arith.index_cast %scan3A_305 : i32 to index
        %get3A_314 = arith.constant 16 : index
        %get3A_315 = tpu.vector_load %arg7[%get3A_313, %get3A_314] {strides = array<i32>} : memref<200x64xf32, #tpu.memory_space<vmem>>, vector<1x16xf32>,
        %get3A_316 = vector.shape_cast %get3A_315 : vector<1x16xf32> to vector<16xf32>
        %swap3A_317 = arith.index_cast %scan3A_305 : i32 to index
        %swap3A_318 = arith.constant 16 : index
        %swap3A_319 = tpu.vector_load %arg11[%swap3A_317, %swap3A_318] {strides = array<i32>} : memref<200x64xf32, #tpu.memory_space<vmem>>, vector<1x16xf32>,
        %swap3A_320 = vector.shape_cast %swap3A_319 : vector<1x16xf32> to vector<16xf32>
        %swap3A_321 = vector.shape_cast %get3A_316 : vector<16xf32> to vector<1x16xf32>
        tpu.vector_store %arg11[%swap3A_317, %swap3A_318], %swap3A_321 {add = true, strides = array<i32>} : memref<200x64xf32, #tpu.memory_space<vmem>>, vector<1x16xf32>,
        %get3A_322 = arith.index_cast %scan3A_305 : i32 to index
        %get3A_323 = arith.constant 32 : index
        %get3A_324 = tpu.vector_load %arg7[%get3A_322, %get3A_323] {strides = array<i32>} : memref<200x64xf32, #tpu.memory_space<vmem>>, vector<1x16xf32>,
        %get3A_325 = vector.shape_cast %get3A_324 : vector<1x16xf32> to vector<16xf32>
        %swap3A_326 = arith.index_cast %scan3A_305 : i32 to index
        %swap3A_327 = arith.constant 32 : index
        %swap3A_328 = tpu.vector_load %arg11[%swap3A_326, %swap3A_327] {strides = array<i32>} : memref<200x64xf32, #tpu.memory_space<vmem>>, vector<1x16xf32>,
        %swap3A_329 = vector.shape_cast %swap3A_328 : vector<1x16xf32> to vector<16xf32>
        %swap3A_330 = vector.shape_cast %get3A_325 : vector<16xf32> to vector<1x16xf32>
        tpu.vector_store %arg11[%swap3A_326, %swap3A_327], %swap3A_330 {add = true, strides = array<i32>} : memref<200x64xf32, #tpu.memory_space<vmem>>, vector<1x16xf32>,
        %get3A_331 = arith.index_cast %scan3A_305 : i32 to index
        %get3A_332 = arith.constant 48 : index
        %get3A_333 = tpu.vector_load %arg7[%get3A_331, %get3A_332] {strides = array<i32>} : memref<200x64xf32, #tpu.memory_space<vmem>>, vector<1x16xf32>,
        %get3A_334 = vector.shape_cast %get3A_333 : vector<1x16xf32> to vector<16xf32>
        %swap3A_335 = arith.index_cast %scan3A_305 : i32 to index
        %swap3A_336 = arith.constant 48 : index
        %swap3A_337 = tpu.vector_load %arg11[%swap3A_335, %swap3A_336] {strides = array<i32>} : memref<200x64xf32, #tpu.memory_space<vmem>>, vector<1x16xf32>,
        %swap3A_338 = vector.shape_cast %swap3A_337 : vector<1x16xf32> to vector<16xf32>
        %swap3A_339 = vector.shape_cast %get3A_334 : vector<16xf32> to vector<1x16xf32>
        tpu.vector_store %arg11[%swap3A_335, %swap3A_336], %swap3A_339 {add = true, strides = array<i32>} : memref<200x64xf32, #tpu.memory_space<vmem>>, vector<1x16xf32>,
      }
      %scan3A_280 = arith.constant 200 : i32
      %mul3A_281 = arith.constant 200 : i32
      %mul3A_282 = arith.muli %add3A_250, %mul3A_281 : i32
      %add3A_283 = arith.addi %mul3A_2, %mul3A_282 : i32
      %dma_start3A_284 = arith.constant 0 : i32
      %dma_start3A_285 = tpu.memref_slice %arg5[%add3A_283, %dma_start3A_284] : memref<819200x64xf32, #tpu.memory_space<hbm>> -> memref<200x64xf32, #tpu.memory_space<hbm>>
      %dma_start3A_286 = arith.constant 0 : i32
      %dma_start3A_287 = tpu.memref_slice %arg5[%add3A_283, %dma_start3A_286] : memref<819200x64xf32, #tpu.memory_space<hbm>> -> memref<200x64xf32, #tpu.memory_space<hbm>>
      tpu.enqueue_dma source(%arg11 : memref<200x64xf32, #tpu.memory_space<vmem>>) target(%dma_start3A_287 : memref<200x64xf32, #tpu.memory_space<hbm>>) target_semaphore(%arg23 : memref<!tpu.dma_semaphore, #tpu.memory_space<semaphore_mem>>)
      %add3A_288 = arith.constant 4 : i32
      %add3A_289 = arith.addi %add3A_250, %add3A_288 : i32
      %sub3A_290 = arith.constant 1 : i32
      %sub3A_291 = arith.subi %add3A_289, %sub3A_290 : i32
      %ge3A_292 = arith.constant 1 : i32
      %ge3A_293 = arith.cmpi sge, %add3A_250, %ge3A_292 : i32
      %lt3A_294 = arith.constant 128 : i32
      %lt3A_295 = arith.cmpi slt, %sub3A_291, %lt3A_294 : i32
      %and3A_296 = arith.andi %ge3A_293, %lt3A_295 : i1
      %convert_element_type3A_297 = arith.extui %and3A_296 : i1 to i32
      %cond3A_298 = arith.constant 0 : i32
      %cond3A_299 = arith.cmpi ne, %convert_element_type3A_297, %cond3A_298 : i32
      scf.if %cond3A_299 {
        %dma_wait3A_305 = arith.constant 0 : i32
        %dma_wait3A_306 = arith.constant 0 : i32
        %dma_wait3A_307 = tpu.memref_slice %arg5[%dma_wait3A_305, %dma_wait3A_306] : memref<819200x64xf32, #tpu.memory_space<hbm>> -> memref<200x64xf32, #tpu.memory_space<hbm>>
        %dma_wait3A_308 = arith.constant 0 : i32
        %dma_wait3A_309 = arith.constant 0 : i32
        %dma_wait3A_310 = tpu.memref_slice %arg5[%dma_wait3A_308, %dma_wait3A_309] : memref<819200x64xf32, #tpu.memory_space<hbm>> -> memref<200x64xf32, #tpu.memory_space<hbm>>
        tpu.wait_dma2 semaphore(%arg22 : memref<!tpu.dma_semaphore, #tpu.memory_space<semaphore_mem>>) src(%arg10 : memref<200x64xf32, #tpu.memory_space<vmem>>) dst(%dma_wait3A_310 : memref<200x64xf32, #tpu.memory_space<hbm>>)
      } else {
      }
      %lt3A_300 = arith.constant 128 : i32
      %lt3A_301 = arith.cmpi slt, %sub3A_291, %lt3A_300 : i32
      %convert_element_type3A_302 = arith.extui %lt3A_301 : i1 to i32
      %cond3A_303 = arith.constant 0 : i32
      %cond3A_304 = arith.cmpi ne, %convert_element_type3A_302, %cond3A_303 : i32
      scf.if %cond3A_304 {
        %mul3A_305 = arith.constant 200 : i32
        %mul3A_306 = arith.muli %sub3A_291, %mul3A_305 : i32
        %dma_start3A_307 = arith.constant 0 : i32
        %dma_start3A_308 = arith.constant 0 : i32
        %dma_start3A_309 = tpu.memref_slice %arg10[%dma_start3A_307, %dma_start3A_308] : memref<200x64xf32, #tpu.memory_space<vmem>> -> memref<128x64xf32, #tpu.memory_space<vmem>>
        %dma_start3A_310 = tpu.memref_slice %arg6[%mul3A_306] : memref<25600xi32, #tpu.memory_space<vmem>> -> memref<128xi32, #tpu.memory_space<vmem>>
        %dma_start3A_311 = arith.constant 0 : i32
        %dma_start3A_312 = arith.constant 0 : i32
        %dma_start3A_313 = tpu.memref_slice %arg3[%dma_start3A_311, %dma_start3A_312] : memref<1000000x64xf32, #tpu.memory_space<hbm>> -> memref<1000000x64xf32, #tpu.memory_space<hbm>>
        tpu.enqueue_indirect_dma source(%dma_start3A_313 : memref<1000000x64xf32, #tpu.memory_space<hbm>>) target(%dma_start3A_309 : memref<128x64xf32, #tpu.memory_space<vmem>>) offsets(%dma_start3A_310 : memref<128xi32, #tpu.memory_space<vmem>>) semaphore(%arg14 : memref<!tpu.dma_semaphore, #tpu.memory_space<semaphore_mem>>)
        %add3A_314 = arith.constant 128 : i32
        %add3A_315 = arith.addi %mul3A_306, %add3A_314 : i32
        %dma_start3A_316 = arith.constant 128 : i32
        %dma_start3A_317 = arith.constant 0 : i32
        %dma_start3A_318 = tpu.memref_slice %arg10[%dma_start3A_316, %dma_start3A_317] : memref<200x64xf32, #tpu.memory_space<vmem>> -> memref<72x64xf32, #tpu.memory_space<vmem>>
        %dma_start3A_319 = tpu.memref_slice %arg6[%add3A_315] : memref<25600xi32, #tpu.memory_space<vmem>> -> memref<72xi32, #tpu.memory_space<vmem>>
        %dma_start3A_320 = arith.constant 0 : i32
        %dma_start3A_321 = arith.constant 0 : i32
        %dma_start3A_322 = tpu.memref_slice %arg3[%dma_start3A_320, %dma_start3A_321] : memref<1000000x64xf32, #tpu.memory_space<hbm>> -> memref<1000000x64xf32, #tpu.memory_space<hbm>>
        tpu.enqueue_indirect_dma source(%dma_start3A_322 : memref<1000000x64xf32, #tpu.memory_space<hbm>>) target(%dma_start3A_318 : memref<72x64xf32, #tpu.memory_space<vmem>>) offsets(%dma_start3A_319 : memref<72xi32, #tpu.memory_space<vmem>>) semaphore(%arg18 : memref<!tpu.dma_semaphore, #tpu.memory_space<semaphore_mem>>)
      } else {
      }
    }
    %scan3A_54 = arith.constant 32 : i32
    %dma_wait3A = arith.constant 0 : i32
    %dma_wait3A_55 = arith.constant 0 : i32
    %dma_wait3A_56 = tpu.memref_slice %arg5[%dma_wait3A, %dma_wait3A_55] : memref<819200x64xf32, #tpu.memory_space<hbm>> -> memref<200x64xf32, #tpu.memory_space<hbm>>
    %dma_wait3A_57 = arith.constant 0 : i32
    %dma_wait3A_58 = arith.constant 0 : i32
    %dma_wait3A_59 = tpu.memref_slice %arg5[%dma_wait3A_57, %dma_wait3A_58] : memref<819200x64xf32, #tpu.memory_space<hbm>> -> memref<200x64xf32, #tpu.memory_space<hbm>>
    tpu.wait_dma2 semaphore(%arg20 : memref<!tpu.dma_semaphore, #tpu.memory_space<semaphore_mem>>) src(%arg8 : memref<200x64xf32, #tpu.memory_space<vmem>>) dst(%dma_wait3A_59 : memref<200x64xf32, #tpu.memory_space<hbm>>)
    %dma_wait3A_60 = arith.constant 0 : i32
    %dma_wait3A_61 = arith.constant 0 : i32
    %dma_wait3A_62 = tpu.memref_slice %arg5[%dma_wait3A_60, %dma_wait3A_61] : memref<819200x64xf32, #tpu.memory_space<hbm>> -> memref<200x64xf32, #tpu.memory_space<hbm>>
    %dma_wait3A_63 = arith.constant 0 : i32
    %dma_wait3A_64 = arith.constant 0 : i32
    %dma_wait3A_65 = tpu.memref_slice %arg5[%dma_wait3A_63, %dma_wait3A_64] : memref<819200x64xf32, #tpu.memory_space<hbm>> -> memref<200x64xf32, #tpu.memory_space<hbm>>
    tpu.wait_dma2 semaphore(%arg21 : memref<!tpu.dma_semaphore, #tpu.memory_space<semaphore_mem>>) src(%arg9 : memref<200x64xf32, #tpu.memory_space<vmem>>) dst(%dma_wait3A_65 : memref<200x64xf32, #tpu.memory_space<hbm>>)
    %dma_wait3A_66 = arith.constant 0 : i32
    %dma_wait3A_67 = arith.constant 0 : i32
    %dma_wait3A_68 = tpu.memref_slice %arg5[%dma_wait3A_66, %dma_wait3A_67] : memref<819200x64xf32, #tpu.memory_space<hbm>> -> memref<200x64xf32, #tpu.memory_space<hbm>>
    %dma_wait3A_69 = arith.constant 0 : i32
    %dma_wait3A_70 = arith.constant 0 : i32
    %dma_wait3A_71 = tpu.memref_slice %arg5[%dma_wait3A_69, %dma_wait3A_70] : memref<819200x64xf32, #tpu.memory_space<hbm>> -> memref<200x64xf32, #tpu.memory_space<hbm>>
    tpu.wait_dma2 semaphore(%arg22 : memref<!tpu.dma_semaphore, #tpu.memory_space<semaphore_mem>>) src(%arg10 : memref<200x64xf32, #tpu.memory_space<vmem>>) dst(%dma_wait3A_71 : memref<200x64xf32, #tpu.memory_space<hbm>>)
    %dma_wait3A_72 = arith.constant 0 : i32
    %dma_wait3A_73 = arith.constant 0 : i32
    %dma_wait3A_74 = tpu.memref_slice %arg5[%dma_wait3A_72, %dma_wait3A_73] : memref<819200x64xf32, #tpu.memory_space<hbm>> -> memref<200x64xf32, #tpu.memory_space<hbm>>
    %dma_wait3A_75 = arith.constant 0 : i32
    %dma_wait3A_76 = arith.constant 0 : i32
    %dma_wait3A_77 = tpu.memref_slice %arg5[%dma_wait3A_75, %dma_wait3A_76] : memref<819200x64xf32, #tpu.memory_space<hbm>> -> memref<200x64xf32, #tpu.memory_space<hbm>>
    tpu.wait_dma2 semaphore(%arg23 : memref<!tpu.dma_semaphore, #tpu.memory_space<semaphore_mem>>) src(%arg11 : memref<200x64xf32, #tpu.memory_space<vmem>>) dst(%dma_wait3A_77 : memref<200x64xf32, #tpu.memory_space<hbm>>)
    return
  }
}

</mosaic_0001>

<sc_bundles>
// kernel: kernel.3.cloned.1.call-start
scs
__scs_entry_jumppad:
0x0: {  	(pc) =	sbr.rel $0x88, $3  }
0x1: {  	(tag) =	ssettag $0x0;
	lr =	simm.s32 $0x1  }
0x2: {  	[smem:$0x3F9E] =	sst lr;
	_ =	strace $0xD0000000  }
0x3: {  	_ = 	snop  }
0x4: {  	_ = 	snop  }
0x5: {  	_ = 	snop  }
0x6: {  	_ = 	snop  }
0x7: {  	_ = 	snop  }
__scs_overlays_trampoline_lowered:
0x8: {  	[smem:$0x3FAD] =	sst s0  }
0x9: {  	[smem:$0x3FAE] =	sst s1  }
0xa: {  	[smem:$0x3FAF] =	sst s2  }
0xb: {  	[smem:$0x3FB0] =	sst s3  }
0xc: {  	[smem:$0x3FB1] =	sst s4  }
0xd: {  	[smem:$0x3FB2] =	sst s5  }
0xe: {  	[smem:$0x3FB3] =	sst s6  }
0xf: {  	[smem:$0x3FB4] =	sst s7  }
0x10: {  	[smem:$0x3FB5] =	sst s8  }
0x11: {  	[smem:$0x3FB6] =	sst s9;
	s0 =	simm.s32 @!p0 $0x0  }
0x12: {  	s1 =	sld [smem:$0x3F9C];
	s0 =	simm.s32 @p0 $0x1  }
0x13: {  	[smem:$0x3FB7] =	sst s0;
	s0 =	simm.s32 @!p1 $0x0  }
0x14: {  	s2 =	sld [smem:$0x3F9B];
	s0 =	simm.s32 @p1 $0x1  }
0x15: {  	[smem:$0x3FB8] =	sst s0;
	s0 =	simm.s32 @!p2 $0x0  }
0x16: {  	s3 =	sld [smem:$0x3FDB];
	s0 =	simm.s32 @p2 $0x1  }
0x17: {  	s4 =	simm.s32 $0x1BF5;
	[smem:$0x3FBA] =	sst s0  }
0x18: {  	s0 =	sld [smem:$0x3F9D];
	_ =	swait.ge [sflag:s4], $0x0  }
0x19: {  	s7 =	sld [smem:$0x3F9E]  }
0x1a: {  	s8 =	sadd.s32 $0xFFFFE003, lr  }
0x1b: {  	s9 =	sadd.s32 $0xFFFFFEF7, lr;
	s5 =	simm.s32 $0xFFFFFFFF;
	p2 =	slt.u32 s8, $0xFFFFF086  }
0x1c: {  	p1 =	slt.u32 s9, $0xF7A;
	s5 =	simm.s32 @!p2 $0x0  }
0x1d: {  	s5 =	simm.s32 @p1 $0x1;
	p0 =	seq.s32 s7, s2  }
0x1e: {  	s7 =	smul.u32 @!p0 $0xF7A, s2;
	p2 =	seq.s32 @!p0 s5, $0x0  }
0x1f: {  	s9 =	smul.u32 $0xF7A, s1;
	s8 =	simm.s32 @!p0 $0x1BF5;
	p2 =	por !p2, p0  }
0x20: {  	[sflag:s8] =	ssyncset.s32 @!p0 $0xFFFFF086;
	s6 =	sadd.s32 @!p0 s3, s7;
	s7 =	simm.s32 @!p0 $0x108  }
0x21: {  	s3 =	sadd.s32 s3, s9;
	s6 =	sadd.s32 @!p0 $0x88, s6;
	s7 =	simm.s32 @p2 $0x1082  }
0x22: {  	[simem:s7], [sflag:s8] =	dma.local @!p0 [hbm:s6], $0xF7A  }
0x23: {  	s9 =	sor.u32 $0xD0000000, s2;
	s6 =	simm.s32 $0x108;
	_ =	swait.ge @!p0 [sflag:s8], $0x0  }
0x24: {  	s3 =	sadd.s32 $0x88, s3;
	s6 =	simm.s32 @!p1 $0x1082;
	[sflag:s4] =	ssyncset.s32 $0xFFFFF086  }
0x25: {  	[simem:s6], [sflag:s4] =	dma.local [hbm:s3], $0xF7A  }
0x26: {  	[smem:$0x3F9E] =	sst s1;
	(tag) =	ssettag s2;
	_ =	strace s9  }
0x27: {  	s1 =	sld [smem:$0x3FAE]  }
0x28: {  	s2 =	sld [smem:$0x3FAF]  }
0x29: {  	s4 =	sld [smem:$0x3FB1]  }
0x2a: {  	p0 =	seq.s32 s5, $0x0;
	s5 =	sld [smem:$0x3FB2]  }
0x2b: {  	s6 =	sld [smem:$0x3FB3]  }
0x2c: {  	s7 =	sld [smem:$0x3FB4]  }
0x2d: {  	s3 =	simm.s32 $0x108;
	s8 =	sld [smem:$0x3FB5]  }
0x2e: {  	s3 =	simm.s32 @!p0 $0x1082;
	s9 =	sld [smem:$0x3FB6]  }
0x2f: {  	lr =	sadd.s32 s0, s3;
	s0 =	sld [smem:$0x3FAD]  }
0x30: {  	s3 =	sld [smem:$0x3FB0]  }
0x31: {  	[smem:$0x3FB9] =	sst s10  }
0x32: {  	s10 =	sld [smem:$0x3FB7];
	_ =	sdelay $0x3  }
0x33: {  	p0 =	seq.s32 s10, $0x1;
	s10 =	sld [smem:$0x3FB9];
	_ =	sdelay $0x3  }
0x34: {  	[smem:$0x3FB9] =	sst s10  }
0x35: {  	s10 =	sld [smem:$0x3FB8];
	_ =	sdelay $0x3  }
0x36: {  	p1 =	seq.s32 s10, $0x1;
	s10 =	sld [smem:$0x3FB9];
	_ =	sdelay $0x3  }
0x37: {  	[smem:$0x3FB9] =	sst s10  }
0x38: {  	s10 =	sld [smem:$0x3FBA]  }
0x39: {  	_ = 	snop;
	(pc) =	sbr.ind lr, $3  }
0x3a: {  	_ = 	snop  }
0x3b: {  	_ = 	snop  }
0x3c: {  	p2 =	seq.s32 s10, $0x1;
	s10 =	sld [smem:$0x3FB9]  }
0x3d: {  	_ =	shalt  }
0x3e: {  	_ =	shalt  }
0x3f: {  	_ =	shalt  }
0x40: {  	_ =	shalt  }
0x41: {  	_ =	shalt  }
0x42: {  	_ =	shalt  }
0x43: {  	_ =	shalt  }
0x44: {  	_ =	shalt  }
0x45: {  	_ =	shalt  }
0x46: {  	_ =	shalt  }
0x47: {  	_ =	shalt  }
0x48: {  	_ =	shalt  }
0x49: {  	_ =	shalt  }
0x4a: {  	_ =	shalt  }
0x4b: {  	_ =	shalt  }
0x4c: {  	_ =	shalt  }
0x4d: {  	_ =	shalt  }
0x4e: {  	_ =	shalt  }
0x4f: {  	_ =	shalt  }
0x50: {  	_ =	shalt  }
0x51: {  	_ =	shalt  }
0x52: {  	_ =	shalt  }
0x53: {  	_ =	shalt  }
0x54: {  	_ =	shalt  }
0x55: {  	_ =	shalt  }
0x56: {  	_ =	shalt  }
0x57: {  	_ =	shalt  }
0x58: {  	_ =	shalt  }
0x59: {  	_ =	shalt  }
0x5a: {  	_ =	shalt  }
0x5b: {  	_ =	shalt  }
0x5c: {  	_ =	shalt  }
0x5d: {  	_ =	shalt  }
0x5e: {  	_ =	shalt  }
0x5f: {  	_ =	shalt  }
0x60: {  	_ =	shalt  }
0x61: {  	_ =	shalt  }
0x62: {  	_ =	shalt  }
0x63: {  	_ =	shalt  }
0x64: {  	_ =	shalt  }
0x65: {  	_ =	shalt  }
0x66: {  	_ =	shalt  }
0x67: {  	_ =	shalt  }
0x68: {  	_ =	shalt  }
0x69: {  	_ =	shalt  }
0x6a: {  	_ =	shalt  }
0x6b: {  	_ =	shalt  }
0x6c: {  	_ =	shalt  }
0x6d: {  	_ =	shalt  }
0x6e: {  	_ =	shalt  }
0x6f: {  	_ =	shalt  }
0x70: {  	_ =	shalt  }
0x71: {  	_ =	shalt  }
0x72: {  	_ =	shalt  }
0x73: {  	_ =	shalt  }
0x74: {  	_ =	shalt  }
0x75: {  	_ =	shalt  }
0x76: {  	_ =	shalt  }
0x77: {  	_ =	shalt  }
0x78: {  	_ =	shalt  }
0x79: {  	_ =	shalt  }
0x7a: {  	_ =	shalt  }
0x7b: {  	_ =	shalt  }
0x7c: {  	_ =	shalt  }
0x7d: {  	_ =	shalt  }
0x7e: {  	_ =	shalt  }
0x7f: {  	_ =	shalt  }
0x80: {  	_ =	shalt  }
0x81: {  	_ =	shalt  }
0x82: {  	_ =	shalt  }
0x83: {  	_ =	shalt  }
0x84: {  	_ =	shalt  }
0x85: {  	_ =	shalt  }
0x86: {  	_ =	shalt  }
0x87: {  	_ =	shalt  }
.Lfunc_end0:
.L_simem_size_0:
called_computation.1_lowered:
.L_overlay_start_0:
0x88: {  	s2 =	sld [smem:$0x3FD9]  }
0x89: {  	s3 =	sld [smem:$0x3FFE];
	_ =	sdelay $0x1  }
0x8a: {  	s1 =	srdreg.scid  }
0x8b: {  	s0 =	sand.u32 $0x1, s1  }
0x8c: {  	s17 =	sshll.u32 s0, $0xA;
	s2 =	sadd.s32 s3, s2  }
0x8d: {  	s2 =	sadd.s32 s2, s17  }
0x8e: {  	[smem:$0x3FC5] =	sst s2  }
0x8f: {  	_ = 	snop  }
0x90: {  	s2 =	sld [smem:$0x3FD0];
	(tm) =	ssettm $0x1  }
0x91: {  	s18 =	sld [smem:$0x3FFB];
	_ =	sdelay $0x3  }
0x92: {  	_ =	strace s18  }
0x93: {  	s3 =	sld [smem:$0x3FFC];
	_ =	sdelay $0x3  }
0x94: {  	_ =	strace s3  }
0x95: {  	s3 =	sld [smem:$0x3FFD];
	_ =	sdelay $0x3  }
0x96: {  	_ =	strace s3  }
0x97: {  	_ =	strace $0x8FFFFFFF  }
0x98: {  	s19 =	sld [smem:$0x3FDB];
	_ =	sdelay $0x1  }
0x99: {  	s4 =	simm.s32 $_scs_section_size  }
0x9a: {  	s5 =	simm.s32 $_size__tile_overlayer_lowered;
	s6 =	simm.s32 $_tile_overlayer_lowered  }
0x9b: {  	s22 =	simm.s32 $0x1BFF;
	s21 =	sshll.u32 s6, $0x1;
	s3 =	sadd.s32 s4, s19  }
0x9c: {  	s7 =	simm.s32 $0x0;
	s20 =	sshll.u32 s5, $0x1;
	s5 =	sadd.s32 s21, s3  }
0x9d: {  	[timem:s7], [sflag:s22] =	dma.local [hbm:s5], s20  }
0x9e: {  	_ =	swait.ge [sflag:s22], s20  }
0x9f: {  	s4 =	ssub.s32 $0x0, s20;
	[sflag:s22] =	ssyncset.done $0x0  }
0xa0: {  	[sflag:s22] =	ssyncadd.s32 s4;
	_ =	sdelay $0x1  }
0xa1: {  	s23 =	simm.s32 $0x1B8B  }
0xa2: {  	_ =	swait.ge [sflag:s23], $0x1  }
0xa3: {  	[sflag:s23] =	ssyncset.done $0x0  }
0xa4: {  	s25 =	simm.s32 $0x1B8E;
	s24 =	sld [smem:$0x3FFE];
	[sflag:s23] =	ssyncadd.s32 $0xFFFFFFFF  }
0xa5: {  	s26 =	simm.s32 $execute0_lowered;
	[smem:$0x3FD2] =	sst s25  }
0xa6: {  	s5 =	sshll.u32 s26, $0x1;
	_ =	strace $0x80000046;
	[dreg:$0x1] =	wrdreg $0xFFFFFFFF  }
0xa7: {  	s28 =	simm.s32 $_size_execute0_lowered;
	s3 =	sadd.s32 s3, s5;
	[dreg:$0x0] =	wrdreg $0x0  }
0xa8: {  	s5 =	sshll.u32 s28, $0x1;
	[dreg:$0x2] =	wrdreg s3  }
0xa9: {  	[dreg:$0x3] =	wrdreg s5  }
0xaa: {  	[dreg:$0x4] =	wrdreg $0xC0  }
0xab: {  	_ =	task [dreg:s7], $0x5FFFF  }
0xac: {  	[dreg:$0x1] =	wrdreg $0xFFFFFFFF  }
0xad: {  	[dreg:$0x0] =	wrdreg $0x60  }
0xae: {  	[dreg:$0x2] =	wrdreg s24  }
0xaf: {  	[dreg:$0x3] =	wrdreg s2  }
0xb0: {  	[dreg:$0x4] =	wrdreg $0x9  }
0xb1: {  	_ =	task.clear_ibuf [dreg:s7], $0x5FFFF;
	_ =	strace $0x90000046  }
0xb2: {  	s29 =	simm.s32 $0x9;
	_ =	strace $0x80000048  }
0xb3: {  	_ =	swait.ge [sflag:s29], $0x1  }
0xb4: {  	[sflag:s29] =	ssyncadd.s32 $0xFFFFFFFF  }
0xb5: {  	_ =	strace $0x90000048  }
0xb6: {  	_ =	sfence  }
0xb7: {  	s30 =	sld [smem:$0x0];
	_ =	sdelay $0x2  }
0xb8: {  	s31 =	sshll.u32 s1, $0xD;
	s1 =	sshrl.u32 s1, $0x2  }
0xb9: {  	s3 =	sand.u32 $0x4000, s31;
	s1 =	sadd.s32 s1, s30  }
0xba: {  	s0 =	sor.u32 s3, s0;
	s1 =	sshll.u32 s1, $0x11  }
0xbb: {  	s0 =	sor.u32 s1, s0  }
0xbc: {  	s0 =	sadd.s32 $0x8F2B, s0  }
0xbd: {  	[sflag:s0] =	ssyncadd.remote.s32 $0x1  }
0xbe: {  	_ =	sfence.sel $0xFFFF  }
0xbf: {  	[dreg:$0x0] =	wrdreg $0xFFFFFFFF;
	(pc) =	sbr.abs _section_cstart, $3  }
0xc0: {  	[dreg:$0x1] =	wrdreg $0xFFFFFFFF  }
0xc1: {  	_ =	task.clear_ibuf [dreg:s7], $0x2FFFF;
	_ =	strace $0x9FFFFFFF  }
0xc2: {  	(tm) =	ssettm $0x7FFFFFFF  }
0xc3: {  	_ =	shalt  }
tec
execute0_lowered:
.L_overlay_start_1:
0x0: {  	(tag) =	ssettag $0x1  }
0x1: {  	s0 =	srdreg.scid  }
0x2: {  	s1 =	stileid.u32;
	s6 =	rddreg [dreg:$0x0]  }
0x3: {  	s2 =	rddreg [dreg:$0x1];
	s4 =	simm.s32 $0x0;
	s12 =	simm.s32 $0xD  }
0x4: {  	s13 =	simm.s32 $0x80;
	s14 =	simm.s32 $0x9600;
	s15 =	simm.s32 $0x48  }
0x5: {  	s18 =	simm.s32 $0xC800;
	s22 =	simm.s32 $0xFA00;
	s24 =	simm.s32 $0x11A00  }
0x6: {  	s25 =	simm.s32 $0x1;
	s26 =	simm.s32 $0x5;
	s28 =	simm.s32 $0x12C00  }
0x7: {  	s29 =	simm.s32 $0x14C00;
	s30 =	simm.s32 $0x2;
	s31 =	simm.s32 $0x6  }
0x8: {  	s11 =	simm.s32 $0x4;
	s16 =	simm.s32 $0x8;
	s20 =	simm.s32 $0xB  }
0x9: {  	s23 =	simm.s32 $0x0;
	s0 =	sand.u32 $0x1, s0;
	s1 =	sshll.u32 s1, $0x1  }
0xa: {  	[smem:$0x7FF] =	sst s4;
	s1 =	sor.u32 s0, s1;
	s0 =	ssub.s32 $0x2, s0  }
0xb: {  	s5 =	sadd.s32 $0xF43000, s6;
	s3 =	smul.u32 $0x6400, s1;
	s7 =	sshrl.u32 s0, $0x1  }
.Ltmp0:
0xc: {  	_ =	strace $0x80000047;
	s0 =	ssub.s32 s0, s7;
	(pc) =	sbr.rel .LBB2_1-.Ltmp0, $4  }
0xd: {  	s1 =	sshrl.u32 s3, $0x3;
	s8 =	sor.u32 $0xC8, s3;
	s0 =	smax.u32 s0, $0x1  }
0xe: {  	s1 =	sadd.s32 s1, s6;
	s6 =	sadd.s32 $0x19C00, s6;
	[dreg:$0x5] =	wrdreg s0  }
0xf: {  	s9 =	sor.u32 $0x190, s3;
	[dreg:$0x3] =	wrdreg s6;
	s1 =	sadd.s32 $0xC00, s1  }
0x10: {  	s0 =	simm.s32 $0x7;
	[dreg:$0x4] =	wrdreg s1;
	s1 =	simm.s32 $0x3  }
.LBB2_12:
0x11: {  	s6 =	simm.s32 $0x9  }
0x12: {  	_ =	swait.ge [sflag:s6], $0x3200  }
0x13: {  	[sflag:s6] =	ssyncset.done $0x0  }
0x14: {  	s19 =	simm.s32 $0xA;
	[sflag:s6] =	ssyncadd.s32 $0xFFFFCE00  }
0x15: {  	_ =	swait.ge [sflag:s19], $0x3200  }
0x16: {  	[sflag:s19] =	ssyncset.done $0x0  }
0x17: {  	[sflag:s19] =	ssyncadd.s32 $0xFFFFCE00  }
0x18: {  	_ =	swait.ge [sflag:s20], $0x3200  }
0x19: {  	[sflag:s20] =	ssyncset.done $0x0  }
0x1a: {  	s7 =	simm.s32 $0xC;
	[sflag:s20] =	ssyncadd.s32 $0xFFFFCE00  }
0x1b: {  	_ =	swait.ge [sflag:s7], $0x3200  }
0x1c: {  	s23 =	sadd.s32 $0x1, s23;
	s21 =	rddreg [dreg:$0x5]  }
0x1d: {  	p0 =	sne.s32 s23, s21  }
.Ltmp1:
0x1e: {  	_ = 	snop;
	(pc) =	sbr.rel @!p0 .LBB2_13-.Ltmp1, $3  }
0x1f: {  	_ =	sdelay $0x1  }
0x20: {  	[sflag:s7] =	ssyncset.done $0x0  }
0x21: {  	[sflag:s7] =	ssyncadd.s32 $0xFFFFCE00  }
.LBB2_1:
0x22: {  	s6 =	rddreg [dreg:$0x3];
	s7 =	simm.s32 $0x6400  }
0x23: {  	[tilespmem:s7], [sflag:$0xD] =	stream.linear.gather [hbm4b:s6+s4], $0x3200, $0x38;
	[tilespmem:$0x15E00] =	vst v63  }
0x24: {  	_ =	swait.ge [sflag:s12], $0x3200  }
0x25: {  	[sflag:s12] =	ssyncset.done $0x0  }
0x26: {  	s19 =	rddreg [dreg:$0x4];
	[sflag:s12] =	ssyncadd.s32 $0xFFFFCE00  }
0x27: {  	[tilespmem:s4], [sflag:$0xD] =	stream.linear.gather [hbm4b:s19+s4], $0x6400, $0x38;
	[tilespmem:$0x15E00] =	vst v63  }
0x28: {  	_ =	swait.ge [sflag:s12], $0x6400  }
0x29: {  	[sflag:s12] =	ssyncset.done $0x0  }
0x2a: {  	[sflag:s12] =	ssyncadd.s32 $0xFFFF9C00  }
0x2b: {  	[tilespmem:s14], [sflag:$0x1] =	stream.indirect.gather [hbm4b:s5+s13], $0x40, s4, s13, $0xb8;
	[tilespmem:$0x15E00] =	vst v63  }
0x2c: {  	s21 =	simm.s32 $0xB600  }
0x2d: {  	[tilespmem:s21], [sflag:$0x5] =	stream.indirect.gather [hbm4b:s5+s15], $0x40, s13, s15, $0xb8;
	[tilespmem:$0x15E00] =	vst v63  }
0x2e: {  	s7 =	simm.s32 $0xC8  }
0x2f: {  	[tilespmem:s18], [sflag:$0x2] =	stream.indirect.gather [hbm4b:s5+s13], $0x40, s7, s13, $0xb8;
	[tilespmem:$0x15E00] =	vst v63  }
0x30: {  	s10 =	simm.s32 $0x148;
	s17 =	simm.s32 $0xE800  }
0x31: {  	[tilespmem:s17], [sflag:$0x6] =	stream.indirect.gather [hbm4b:s5+s15], $0x40, s10, s15, $0xb8;
	[tilespmem:$0x15E00] =	vst v63  }
0x32: {  	s19 =	simm.s32 $0x190  }
0x33: {  	[tilespmem:s22], [sflag:$0x3] =	stream.indirect.gather [hbm4b:s5+s13], $0x40, s19, s13, $0xb8;
	[tilespmem:$0x15E00] =	vst v63  }
0x34: {  	s6 =	simm.s32 $0x0;
	s21 =	simm.s32 $0x210  }
0x35: {  	[tilespmem:s24], [sflag:$0x7] =	stream.indirect.gather [hbm4b:s5+s15], $0x40, s21, s15, $0xb8;
	[tilespmem:$0x15E00] =	vst v63  }
.LBB2_2:
0x36: {  	_ =	swait.ge [sflag:s25], $0x2000  }
0x37: {  	[sflag:s25] =	ssyncset.done $0x0  }
0x38: {  	[sflag:s25] =	ssyncadd.s32 $0xFFFFE000  }
0x39: {  	_ =	swait.ge [sflag:s26], $0x1200  }
0x3a: {  	[sflag:s26] =	ssyncset.done $0x0  }
0x3b: {  	s7 =	simm.s32 $0x0;
	[sflag:s26] =	ssyncadd.s32 $0xFFFFEE00  }
0x3c: {  	v1 =	vld [tilespmem:s7+$0x6430]  }
0x3d: {  	v2 =	vld [tilespmem:s7+$0x6400]  }
0x3e: {  	v3 =	vld [tilespmem:s7+$0x6410]  }
0x3f: {  	v0 =	vld [tilespmem:s7+$0x6420];
	_ =	sdelay $0x1  }
0x40: {  	[tilespmem:s7+$0x9630] =	vst.add.f32.msk $0xffff, v1  }
0x41: {  	[tilespmem:s7+$0x9600] =	vst.add.f32.msk $0xffff, v2  }
0x42: {  	s10 =	simm.s32 $0x40;
	s17 =	simm.s32 $0x200;
	[tilespmem:s7+$0x9610] =	vst.add.f32.msk $0xffff, v3  }
.LBB2_3:
0x43: {  	p0 =	sne.s32 s17, $0xC700;
	v1 =	vld [tilespmem:s10+$0x6430];
	v2 =	vmov v0  }
0x44: {  	v3 =	vld [tilespmem:s10+$0x6400]  }
0x45: {  	v4 =	vld [tilespmem:s10+$0x6410]  }
.Ltmp2:
0x46: {  	v0 =	vld [tilespmem:s10+$0x6420];
	(pc) =	sbr.rel @p0 .LBB2_3-.Ltmp2, $4  }
0x47: {  	[tilespmem:s7+$0x9620] =	vst.add.f32.msk $0xffff, v2;
	s7 =	smov.u32 s10  }
0x48: {  	[tilespmem:s7+$0x9630] =	vst.add.f32.msk $0xffff, v1  }
0x49: {  	[tilespmem:s7+$0x9600] =	vst.add.f32.msk $0xffff, v3  }
0x4a: {  	s10 =	sshra.s32 s17, $0x2;
	s17 =	sadd.s32 $0x100, s17;
	[tilespmem:s7+$0x9610] =	vst.add.f32.msk $0xffff, v4  }
0x4b: {  	v1 =	vld [tilespmem:s10+$0x6430]  }
0x4c: {  	v2 =	vld [tilespmem:s10+$0x6400]  }
0x4d: {  	v3 =	vld [tilespmem:s10+$0x6410]  }
0x4e: {  	v4 =	vld [tilespmem:s10+$0x6420]  }
0x4f: {  	[tilespmem:s7+$0x9620] =	vst.add.f32.msk $0xffff, v0;
	s7 =	smul.u32 $0x320, s6  }
0x50: {  	[tilespmem:s10+$0x9630] =	vst.add.f32.msk $0xffff, v1  }
0x51: {  	s17 =	sadd.s32 s3, s7;
	[tilespmem:s10+$0x9600] =	vst.add.f32.msk $0xffff, v2  }
0x52: {  	p0 =	seq.s32 s6, $0x0;
	s17 =	sshll.u32 s17, $0x3;
	[tilespmem:s10+$0x9610] =	vst.add.f32.msk $0xffff, v3  }
0x53: {  	s19 =	sadd.s32 s2, s17;
	[tilespmem:s10+$0x9620] =	vst.add.f32.msk $0xffff, v4;
	s10 =	simm.s32 @!p0 $0xC  }
0x54: {  	[hbm4b:s19+s4] =	stream.linear.scatter [tilespmem:s14], [sflag:$0x9], $0x3200, $0x38;
	[tilespmem:$0x15E00] =	vst v63  }
0x55: {  	_ =	swait.ge @!p0 [sflag:s10], $0x3200  }
0x56: {  	[sflag:s10] =	ssyncset.done @!p0 $0x0  }
0x57: {  	[sflag:s10] =	ssyncadd.s32 @!p0 $0xFFFFCE00;
	s10 =	sadd.s32 $0x258, s7  }
0x58: {  	[tilespmem:s28], [sflag:$0x4] =	stream.indirect.gather [hbm4b:s5+s13], $0x40, s10, s13, $0xb8;
	[tilespmem:$0x15E00] =	vst v63  }
0x59: {  	s21 =	sadd.s32 $0x2D8, s7  }
0x5a: {  	[tilespmem:s29], [sflag:$0x8] =	stream.indirect.gather [hbm4b:s5+s15], $0x40, s21, s15, $0xb8;
	[tilespmem:$0x15E00] =	vst v63  }
0x5b: {  	_ =	swait.ge [sflag:s30], $0x2000  }
0x5c: {  	[sflag:s30] =	ssyncset.done $0x0  }
0x5d: {  	[sflag:s30] =	ssyncadd.s32 $0xFFFFE000  }
0x5e: {  	_ =	swait.ge [sflag:s31], $0x1200  }
0x5f: {  	[sflag:s31] =	ssyncset.done $0x0  }
0x60: {  	s17 =	simm.s32 $0x0;
	[sflag:s31] =	ssyncadd.s32 $0xFFFFEE00  }
0x61: {  	v1 =	vld [tilespmem:s17+$0x6430]  }
0x62: {  	v2 =	vld [tilespmem:s17+$0x6400]  }
0x63: {  	v3 =	vld [tilespmem:s17+$0x6410]  }
0x64: {  	v0 =	vld [tilespmem:s17+$0x6420];
	_ =	sdelay $0x1  }
0x65: {  	[tilespmem:s17+$0xC830] =	vst.add.f32.msk $0xffff, v1  }
0x66: {  	[tilespmem:s17+$0xC800] =	vst.add.f32.msk $0xffff, v2  }
0x67: {  	s19 =	simm.s32 $0x40;
	s21 =	simm.s32 $0x200;
	[tilespmem:s17+$0xC810] =	vst.add.f32.msk $0xffff, v3  }
.LBB2_5:
0x68: {  	p0 =	sne.s32 s21, $0xC700;
	v1 =	vld [tilespmem:s19+$0x6430];
	v2 =	vmov v0  }
0x69: {  	v3 =	vld [tilespmem:s19+$0x6400]  }
0x6a: {  	v4 =	vld [tilespmem:s19+$0x6410]  }
.Ltmp3:
0x6b: {  	v0 =	vld [tilespmem:s19+$0x6420];
	(pc) =	sbr.rel @p0 .LBB2_5-.Ltmp3, $4  }
0x6c: {  	[tilespmem:s17+$0xC820] =	vst.add.f32.msk $0xffff, v2;
	s17 =	smov.u32 s19  }
0x6d: {  	[tilespmem:s17+$0xC830] =	vst.add.f32.msk $0xffff, v1  }
0x6e: {  	[tilespmem:s17+$0xC800] =	vst.add.f32.msk $0xffff, v3  }
0x6f: {  	s19 =	sshra.s32 s21, $0x2;
	s21 =	sadd.s32 $0x100, s21;
	[tilespmem:s17+$0xC810] =	vst.add.f32.msk $0xffff, v4  }
0x70: {  	v1 =	vld [tilespmem:s19+$0x6430]  }
0x71: {  	v2 =	vld [tilespmem:s19+$0x6400]  }
0x72: {  	v3 =	vld [tilespmem:s19+$0x6410]  }
0x73: {  	v4 =	vld [tilespmem:s19+$0x6420]  }
0x74: {  	[tilespmem:s17+$0xC820] =	vst.add.f32.msk $0xffff, v0  }
0x75: {  	s21 =	sadd.s32 s7, s8;
	[tilespmem:s19+$0xC830] =	vst.add.f32.msk $0xffff, v1  }
0x76: {  	s17 =	sshll.u32 s21, $0x3;
	[tilespmem:s19+$0xC800] =	vst.add.f32.msk $0xffff, v2  }
0x77: {  	s17 =	sand.u32 $0x1FFFFF40, s17;
	[tilespmem:s19+$0xC810] =	vst.add.f32.msk $0xffff, v3  }
0x78: {  	p0 =	seq.s32 s6, $0x1F;
	s17 =	sadd.s32 s2, s17;
	[tilespmem:s19+$0xC820] =	vst.add.f32.msk $0xffff, v4  }
0x79: {  	[hbm4b:s17+s4] =	stream.linear.scatter [tilespmem:s18], [sflag:$0xA], $0x3200, $0x38;
	[tilespmem:$0x15E00] =	vst v63  }
0x7a: {  	s17 =	simm.s32 @!p0 $0x9  }
0x7b: {  	_ =	swait.ge @!p0 [sflag:s17], $0x3200  }
0x7c: {  	s21 =	simm.s32 @!p0 $0x9600;
	[sflag:s17] =	ssyncset.done @!p0 $0x0  }
0x7d: {  	s19 =	simm.s32 @!p0 $0x80;
	[sflag:s17] =	ssyncadd.s32 @!p0 $0xFFFFCE00;
	s17 =	sadd.s32 @!p0 $0x320, s7  }
0x7e: {  	[tilespmem:s21], [sflag:$0x1] =	stream.indirect.gather @!p0 [hbm4b:s5+s19], $0x40, s17, s19, $0xb8;
	[tilespmem:$0x15E00] =	vst v63  }
0x7f: {  	s17 =	sadd.s32 @!p0 $0x3A0, s7;
	s19 =	simm.s32 @!p0 $0x48;
	s21 =	simm.s32 @!p0 $0xB600  }
0x80: {  	[tilespmem:s21], [sflag:$0x5] =	stream.indirect.gather @!p0 [hbm4b:s5+s19], $0x40, s17, s19, $0xb8;
	[tilespmem:$0x15E00] =	vst v63  }
0x81: {  	_ =	swait.ge [sflag:s1], $0x2000  }
0x82: {  	[sflag:s1] =	ssyncset.done $0x0  }
0x83: {  	[sflag:s1] =	ssyncadd.s32 $0xFFFFE000  }
0x84: {  	_ =	swait.ge [sflag:s0], $0x1200  }
0x85: {  	[sflag:s0] =	ssyncset.done $0x0  }
0x86: {  	s17 =	simm.s32 $0x0;
	[sflag:s0] =	ssyncadd.s32 $0xFFFFEE00  }
0x87: {  	v1 =	vld [tilespmem:s17+$0x6430]  }
0x88: {  	v2 =	vld [tilespmem:s17+$0x6400]  }
0x89: {  	v3 =	vld [tilespmem:s17+$0x6410]  }
0x8a: {  	v0 =	vld [tilespmem:s17+$0x6420];
	_ =	sdelay $0x1  }
0x8b: {  	[tilespmem:s17+$0xFA30] =	vst.add.f32.msk $0xffff, v1  }
0x8c: {  	[tilespmem:s17+$0xFA00] =	vst.add.f32.msk $0xffff, v2  }
0x8d: {  	s19 =	simm.s32 $0x40;
	s21 =	simm.s32 $0x200;
	[tilespmem:s17+$0xFA10] =	vst.add.f32.msk $0xffff, v3  }
.LBB2_7:
0x8e: {  	p1 =	sne.s32 s21, $0xC700;
	v1 =	vld [tilespmem:s19+$0x6430];
	v2 =	vmov v0  }
0x8f: {  	v3 =	vld [tilespmem:s19+$0x6400]  }
0x90: {  	v4 =	vld [tilespmem:s19+$0x6410]  }
.Ltmp4:
0x91: {  	v0 =	vld [tilespmem:s19+$0x6420];
	(pc) =	sbr.rel @p1 .LBB2_7-.Ltmp4, $4  }
0x92: {  	[tilespmem:s17+$0xFA20] =	vst.add.f32.msk $0xffff, v2;
	s17 =	smov.u32 s19  }
0x93: {  	[tilespmem:s17+$0xFA30] =	vst.add.f32.msk $0xffff, v1  }
0x94: {  	[tilespmem:s17+$0xFA00] =	vst.add.f32.msk $0xffff, v3  }
0x95: {  	s19 =	sshra.s32 s21, $0x2;
	s21 =	sadd.s32 $0x100, s21;
	[tilespmem:s17+$0xFA10] =	vst.add.f32.msk $0xffff, v4  }
0x96: {  	v1 =	vld [tilespmem:s19+$0x6430]  }
0x97: {  	v2 =	vld [tilespmem:s19+$0x6400]  }
0x98: {  	v3 =	vld [tilespmem:s19+$0x6410]  }
0x99: {  	v4 =	vld [tilespmem:s19+$0x6420]  }
0x9a: {  	[tilespmem:s17+$0xFA20] =	vst.add.f32.msk $0xffff, v0  }
0x9b: {  	s21 =	sadd.s32 s7, s9;
	[tilespmem:s19+$0xFA30] =	vst.add.f32.msk $0xffff, v1  }
0x9c: {  	s17 =	sshll.u32 s21, $0x3;
	[tilespmem:s19+$0xFA00] =	vst.add.f32.msk $0xffff, v2  }
0x9d: {  	s17 =	sand.u32 $0x1FFFFF80, s17;
	[tilespmem:s19+$0xFA10] =	vst.add.f32.msk $0xffff, v3  }
0x9e: {  	s17 =	sadd.s32 s2, s17;
	[tilespmem:s19+$0xFA20] =	vst.add.f32.msk $0xffff, v4  }
0x9f: {  	[hbm4b:s17+s4] =	stream.linear.scatter [tilespmem:s22], [sflag:$0xB], $0x3200, $0x38;
	[tilespmem:$0x15E00] =	vst v63  }
0xa0: {  	s17 =	simm.s32 @!p0 $0xA  }
0xa1: {  	_ =	swait.ge @!p0 [sflag:s17], $0x3200  }
0xa2: {  	s21 =	simm.s32 @!p0 $0xC800;
	[sflag:s17] =	ssyncset.done @!p0 $0x0  }
0xa3: {  	s19 =	simm.s32 @!p0 $0x80;
	[sflag:s17] =	ssyncadd.s32 @!p0 $0xFFFFCE00;
	s17 =	sadd.s32 @!p0 $0x3E8, s7  }
0xa4: {  	[tilespmem:s21], [sflag:$0x2] =	stream.indirect.gather @!p0 [hbm4b:s5+s19], $0x40, s17, s19, $0xb8;
	[tilespmem:$0x15E00] =	vst v63  }
0xa5: {  	s17 =	sadd.s32 @!p0 $0x468, s7;
	s19 =	simm.s32 @!p0 $0x48;
	s21 =	simm.s32 @!p0 $0xE800  }
0xa6: {  	[tilespmem:s21], [sflag:$0x6] =	stream.indirect.gather @!p0 [hbm4b:s5+s19], $0x40, s17, s19, $0xb8;
	[tilespmem:$0x15E00] =	vst v63  }
0xa7: {  	_ =	swait.ge [sflag:s11], $0x2000  }
0xa8: {  	[sflag:s11] =	ssyncset.done $0x0  }
0xa9: {  	[sflag:s11] =	ssyncadd.s32 $0xFFFFE000  }
0xaa: {  	_ =	swait.ge [sflag:s16], $0x1200  }
0xab: {  	[sflag:s16] =	ssyncset.done $0x0  }
0xac: {  	s17 =	simm.s32 $0x0;
	[sflag:s16] =	ssyncadd.s32 $0xFFFFEE00  }
0xad: {  	v1 =	vld [tilespmem:s17+$0x6430]  }
0xae: {  	v2 =	vld [tilespmem:s17+$0x6400]  }
0xaf: {  	v3 =	vld [tilespmem:s17+$0x6410]  }
0xb0: {  	v0 =	vld [tilespmem:s17+$0x6420];
	_ =	sdelay $0x1  }
0xb1: {  	[tilespmem:s17+$0x12C30] =	vst.add.f32.msk $0xffff, v1  }
0xb2: {  	[tilespmem:s17+$0x12C00] =	vst.add.f32.msk $0xffff, v2  }
0xb3: {  	s19 =	simm.s32 $0x40;
	s21 =	simm.s32 $0x200;
	[tilespmem:s17+$0x12C10] =	vst.add.f32.msk $0xffff, v3  }
.LBB2_9:
0xb4: {  	p1 =	sne.s32 s21, $0xC700;
	v1 =	vld [tilespmem:s19+$0x6430];
	v2 =	vmov v0  }
0xb5: {  	v3 =	vld [tilespmem:s19+$0x6400]  }
0xb6: {  	v4 =	vld [tilespmem:s19+$0x6410]  }
.Ltmp5:
0xb7: {  	v0 =	vld [tilespmem:s19+$0x6420];
	(pc) =	sbr.rel @p1 .LBB2_9-.Ltmp5, $4  }
0xb8: {  	[tilespmem:s17+$0x12C20] =	vst.add.f32.msk $0xffff, v2;
	s17 =	smov.u32 s19  }
0xb9: {  	[tilespmem:s17+$0x12C30] =	vst.add.f32.msk $0xffff, v1  }
0xba: {  	[tilespmem:s17+$0x12C00] =	vst.add.f32.msk $0xffff, v3  }
0xbb: {  	s19 =	sshra.s32 s21, $0x2;
	s21 =	sadd.s32 $0x100, s21;
	[tilespmem:s17+$0x12C10] =	vst.add.f32.msk $0xffff, v4  }
0xbc: {  	v1 =	vld [tilespmem:s19+$0x6430]  }
0xbd: {  	v2 =	vld [tilespmem:s19+$0x6400]  }
0xbe: {  	v3 =	vld [tilespmem:s19+$0x6410]  }
0xbf: {  	v4 =	vld [tilespmem:s19+$0x6420]  }
0xc0: {  	[tilespmem:s17+$0x12C20] =	vst.add.f32.msk $0xffff, v0  }
.Ltmp6:
0xc1: {  	s10 =	sadd.s32 s3, s10;
	[tilespmem:s19+$0x12C30] =	vst.add.f32.msk $0xffff, v1;
	(pc) =	sbr.rel @p0 .LBB2_12-.Ltmp6, $4  }
0xc2: {  	s10 =	sshll.u32 s10, $0x3;
	[tilespmem:s19+$0x12C00] =	vst.add.f32.msk $0xffff, v2  }
0xc3: {  	s10 =	sand.u32 $0x1FFFFFC0, s10;
	[tilespmem:s19+$0x12C10] =	vst.add.f32.msk $0xffff, v3  }
0xc4: {  	s10 =	sadd.s32 s2, s10;
	[tilespmem:s19+$0x12C20] =	vst.add.f32.msk $0xffff, v4  }
0xc5: {  	[hbm4b:s10+s4] =	stream.linear.scatter [tilespmem:s28], [sflag:$0xC], $0x3200, $0x38;
	[tilespmem:$0x15E00] =	vst v63  }
0xc6: {  	_ =	swait.ge [sflag:s20], $0x3200  }
.Ltmp7:
0xc7: {  	[sflag:s20] =	ssyncset.done $0x0;
	(pc) =	sbr.rel .LBB2_2-.Ltmp7, $4  }
0xc8: {  	s10 =	sadd.s32 $0x4B0, s7;
	[sflag:s20] =	ssyncadd.s32 $0xFFFFCE00  }
0xc9: {  	[tilespmem:s22], [sflag:$0x3] =	stream.indirect.gather [hbm4b:s5+s13], $0x40, s10, s13, $0xb8;
	[tilespmem:$0x15E00] =	vst v63  }
0xca: {  	s21 =	sadd.s32 $0x530, s7;
	s6 =	sadd.s32 $0x1, s6  }
0xcb: {  	[tilespmem:s24], [sflag:$0x7] =	stream.indirect.gather [hbm4b:s5+s15], $0x40, s21, s15, $0xb8;
	[tilespmem:$0x15E00] =	vst v63  }
.LBB2_13:
0xcc: {  	_ =	sfence.sel $0x180000  }
0xcd: {  	[bflag:$0x0] =	sbarrier.arrive $0xFFFF  }
0xce: {  	_ =	strace $0x90000047  }
0xcf: {  	s0 =	stileid.u32;
	[bflag:$0x2] =	sbarrier.arrive $0xFFFF  }
0xd0: {  	p0 =	sne.s32 s0, $0x0;
	s0 =	rddreg [dreg:$0x2]  }
0xd1: {  	s0 =	sadd.s32 @!p0 $0x100000, s0  }
0xd2: {  	[sflag:s0] =	ssyncadd.tile.s32 @!p0 $0x1;
	_ =	shalt  }
.Lfunc_end2:
_tile_overlayer_lowered:
.L_overlay_start_2:
0xd3: {  	(tag) =	ssettag $0x2  }
0xd4: {  	s0 =	rddreg [dreg:$0x0];
	s2 =	stileid.u32  }
0xd5: {  	s1 =	rddreg [dreg:$0x1];
	p0 =	sne.s32 s2, $0x0  }
0xd6: {  	s3 =	rddreg [dreg:$0x2];
	[bflag:$0x3] =	sbarrier.arrive $0xFFFF;
	s2 =	simm.s32 @!p0 $0x1C0D  }
0xd7: {  	[timem:s3], [sflag:s2] =	dma.local @!p0 [hbm:s0], s1  }
0xd8: {  	s0 =	simm.s32 @!p0 $0xD  }
0xd9: {  	_ =	swait.ge @!p0 [sflag:s0], s1  }
0xda: {  	s1 =	ssub.s32 @!p0 $0x0, s1;
	[sflag:s0] =	ssyncset.done @!p0 $0x0  }
0xdb: {  	[sflag:s0] =	ssyncadd.s32 @!p0 s1  }
0xdc: {  	[bflag:$0x3] =	sbarrier.arrive $0xFFFF  }
0xdd: {  	_ =	shalt  }

// kernel: sparse-core-data-format-call.cloned.1.call-start
scs
called_computation_lowered:
.L_overlay_start_0:
0x0: {  	s2 =	sld [smem:$0x3FD9]  }
0x1: {  	s3 =	sld [smem:$0x3FFE];
	_ =	sdelay $0x1  }
0x2: {  	s1 =	srdreg.scid  }
0x3: {  	s0 =	sand.u32 $0x1, s1  }
0x4: {  	s18 =	sshll.u32 s0, $0xA;
	s2 =	sadd.s32 s3, s2  }
0x5: {  	s2 =	sadd.s32 s2, s18  }
0x6: {  	[smem:$0x3FC5] =	sst s2  }
0x7: {  	_ = 	snop  }
0x8: {  	s2 =	sld [smem:$0x3FD0];
	(tm) =	ssettm $0x1  }
0x9: {  	s19 =	sld [smem:$0x3FFB];
	_ =	sdelay $0x3  }
0xa: {  	_ =	strace s19  }
0xb: {  	s3 =	sld [smem:$0x3FFC];
	_ =	sdelay $0x3  }
0xc: {  	_ =	strace s3  }
0xd: {  	s3 =	sld [smem:$0x3FFD];
	_ =	sdelay $0x3  }
0xe: {  	_ =	strace s3  }
0xf: {  	_ =	strace $0x8FFFFFFF  }
0x10: {  	s20 =	sld [smem:$0x3FDB];
	_ =	sdelay $0x1  }
0x11: {  	s4 =	simm.s32 $_scs_section_size  }
0x12: {  	s5 =	simm.s32 $_size__tile_overlayer_lowered;
	s6 =	simm.s32 $_tile_overlayer_lowered  }
0x13: {  	s23 =	simm.s32 $0x1BFF;
	s22 =	sshll.u32 s6, $0x1;
	s3 =	sadd.s32 s4, s20  }
0x14: {  	s7 =	simm.s32 $0x0;
	s21 =	sshll.u32 s5, $0x1;
	s5 =	sadd.s32 s22, s3  }
0x15: {  	[timem:s7], [sflag:s23] =	dma.local [hbm:s5], s21  }
0x16: {  	_ =	swait.ge [sflag:s23], s21  }
0x17: {  	s4 =	ssub.s32 $0x0, s21;
	[sflag:s23] =	ssyncset.done $0x0  }
0x18: {  	[sflag:s23] =	ssyncadd.s32 s4;
	_ =	sdelay $0x1  }
0x19: {  	s24 =	simm.s32 $0x1B8B  }
0x1a: {  	_ =	swait.ge [sflag:s24], $0x1  }
0x1b: {  	[sflag:s24] =	ssyncset.done $0x0  }
0x1c: {  	s26 =	simm.s32 $0x1B8E;
	s25 =	sld [smem:$0x3FFE];
	[sflag:s24] =	ssyncadd.s32 $0xFFFFFFFF  }
0x1d: {  	s27 =	simm.s32 $execute0_lowered;
	[smem:$0x3FD2] =	sst s26  }
0x1e: {  	s5 =	sshll.u32 s27, $0x1;
	_ =	strace $0x80000049;
	[dreg:$0x1] =	wrdreg $0xFFFFFFFF  }
0x1f: {  	s28 =	simm.s32 $_size_execute0_lowered;
	s3 =	sadd.s32 s3, s5;
	[dreg:$0x0] =	wrdreg $0x0  }
0x20: {  	s5 =	sshll.u32 s28, $0x1;
	[dreg:$0x2] =	wrdreg s3  }
0x21: {  	[dreg:$0x3] =	wrdreg s5  }
0x22: {  	[dreg:$0x4] =	wrdreg $0xC0  }
0x23: {  	_ =	task [dreg:s7], $0x5FFFF  }
0x24: {  	[dreg:$0x1] =	wrdreg $0xFFFFFFFF  }
0x25: {  	[dreg:$0x0] =	wrdreg $0x60  }
0x26: {  	[dreg:$0x2] =	wrdreg s25  }
0x27: {  	[dreg:$0x3] =	wrdreg s2  }
0x28: {  	[dreg:$0x4] =	wrdreg $0x9  }
0x29: {  	_ =	task.clear_ibuf [dreg:s7], $0x5FFFF;
	_ =	strace $0x90000049  }
0x2a: {  	s29 =	simm.s32 $0x9;
	_ =	strace $0x8000004B  }
0x2b: {  	_ =	swait.ge [sflag:s29], $0x1  }
0x2c: {  	[sflag:s29] =	ssyncadd.s32 $0xFFFFFFFF  }
0x2d: {  	_ =	strace $0x9000004B  }
0x2e: {  	_ =	sfence  }
0x2f: {  	s30 =	sld [smem:$0x0];
	_ =	sdelay $0x2  }
0x30: {  	s31 =	sshll.u32 s1, $0xD;
	s1 =	sshrl.u32 s1, $0x2  }
0x31: {  	s3 =	sand.u32 $0x4000, s31;
	s1 =	sadd.s32 s1, s30  }
0x32: {  	s0 =	sor.u32 s3, s0;
	s1 =	sshll.u32 s1, $0x11  }
0x33: {  	s0 =	sor.u32 s1, s0  }
0x34: {  	s0 =	sadd.s32 $0x8F2B, s0  }
0x35: {  	[sflag:s0] =	ssyncadd.remote.s32 $0x1  }
0x36: {  	_ =	sfence.sel $0xFFFF  }
0x37: {  	[dreg:$0x0] =	wrdreg $0xFFFFFFFF;
	(pc) =	sbr.abs _section_cstart, $3  }
0x38: {  	[dreg:$0x1] =	wrdreg $0xFFFFFFFF  }
0x39: {  	_ =	task.clear_ibuf [dreg:s7], $0x2FFFF;
	_ =	strace $0x9FFFFFFF  }
0x3a: {  	(tm) =	ssettm $0x7FFFFFFF  }
0x3b: {  	_ =	shalt  }
tec
execute0_lowered:
.L_overlay_start_1:
0x0: {  	(tag) =	ssettag $0x1  }
0x1: {  	s0 =	srdreg.scid  }
0x2: {  	s1 =	sshll.u32 s0, $0x4  }
0x3: {  	s0 =	stileid.u32;
	s1 =	sand.u32 $0x10, s1  }
0x4: {  	s1 =	sor.u32 s0, s1  }
0x5: {  	s6 =	rddreg [dreg:$0x0];
	s4 =	simm.s32 $0x1;
	s2 =	sshll.u32 s1, $0x7  }
0x6: {  	s7 =	simm.s32 $0x2;
	s12 =	simm.s32 $0x0;
	s1 =	ssub.s32 $0x1000, s2  }
0x7: {  	s8 =	simm.s32 $0x8000;
	s13 =	simm.s32 $0x0;
	s3 =	sand.u32 $0xF80, s1  }
0x8: {  	s9 =	simm.s32 $0x0;
	s5 =	sshrl.u32 s1, $0xC;
	p0 =	sne.s32 s3, $0x0  }
.Ltmp0:
0x9: {  	s1 =	rddreg [dreg:$0x2];
	s4 =	simm.s32 @!p0 $0x0;
	(pc) =	sbr.rel .LBB1_1-.Ltmp0, $4  }
0xa: {  	s11 =	simm.s32 $0x0;
	s3 =	rddreg [dreg:$0x1];
	s5 =	sadd.s32 s4, s5  }
0xb: {  	_ =	strace $0x8000004A;
	s4 =	simm.s32 $0x1;
	s5 =	smul.u32 $0xC8, s5  }
0xc: {  	s6 =	sadd.s32 $0xC00, s6;
	s10 =	smov.u32 s2;
	[sflag:s4] =	ssyncpa.u1 $0x0  }
0xd: {  	p0 =	por $0x0, $0x0;
	[sflag:s7] =	ssyncpa.u1 $0x0;
	s7 =	sor.u32 $0x1, s5  }
.LBB1_4:
0xe: {  	s16 =	sshll.u32 s13, $0x3;
	s17 =	sand.u32 $0x78, s13  }
0xf: {  	s30 =	sand.u32 $0x7E00, s13;
	s12 =	sshll.u32 s12, $0xF;
	s16 =	sand.u32 $0xC00, s16  }
0x10: {  	[tilespmem:s15+$0x810 ss:$0x81] =	vst.msk $0xffff, v2;
	s31 =	sand.u32 $0x7, s13;
	s16 =	sor.u32 s17, s16;
	s17 =	sadd.s32 s3, s30  }
0x11: {  	[tilespmem:s15+$0x1020 ss:$0x81] =	vst.msk $0xffff, v0;
	s13 =	sshll.u32 s31, $0x12;
	s12 =	sadd.s32 s12, s17;
	s16 =	sshrl.u32 s16, $0x3  }
0x12: {  	[tilespmem:s15+$0x0 ss:$0x81] =	vst.msk $0xffff, v1;
	s13 =	sor.u32 $0x400, s13;
	s12 =	sadd.s32 s16, s12  }
0x13: {  	[hbm4b:s12+s13] =	stream.strided.scatter [tilespmem:s14], [sflag:$0x2], $0x2000, s8, s13, $0x20;
	[tilespmem:$0x8080] =	vst v63  }
.LBB1_5:
0x14: {  	s14 =	sadd.s32 $0x1, s9  }
0x15: {  	s12 =	sadd.s32 $0x1000, s10;
	s16 =	smov.u32 s10;
	p2 =	sgt.s32 s14, $0xC7  }
0x16: {  	s16 =	smov.u32 @p2 s12  }
0x17: {  	s14 =	simm.s32 @p2 $0x0;
	p2 =	sgt.s32 s16, $0xFFF  }
0x18: {  	s16 =	smov.u32 @p2 s2;
	p2 =	sne.s32 s11, s7  }
.Ltmp1:
0x19: {  	p1 =	slt.u32 s11, $0x2;
	(pc) =	sbr.rel @!p2 .LBB1_6-.Ltmp1, $4  }
0x1a: {  	s15 =	simm.s32 @!p1 $0x2  }
0x1b: {  	s13 =	smov.u32 s10;
	p0 =	por !p0, !p0;
	_ =	swait.ge @!p1 [sflag:s15], $0x2000  }
0x1c: {  	s12 =	smov.u32 s9;
	[sflag:s15] =	ssyncset.done @!p1 $0x0;
	s9 =	smov.u32 s14  }
0x1d: {  	s11 =	sadd.s32 $0x1, s11;
	[sflag:s15] =	ssyncadd.s32 @!p1 $0xFFFFE000;
	s10 =	smov.u32 s16  }
.LBB1_1:
0x1e: {  	p1 =	sge.u32 s11, s5  }
0x1f: {  	s14 =	sand.u32 @!p1 $0x1FFFFFF, s9  }
0x20: {  	s15 =	smulhi.u32 @!p1 $0x147AE15, s14;
	_ =	sdelay $0x1  }
0x21: {  	s15 =	smul.u32 @!p1 $0xC8, s15  }
0x22: {  	s16 =	sxor.u32 @!p1 $0xFFFFFFFF, s11;
	s17 =	smul.u32 @!p1 $0xC80, s10  }
0x23: {  	s31 =	sadd.s32 $0xFFFFFFFF, s11;
	s16 =	sshll.u32 @!p1 s16, $0xD;
	s14 =	ssub.s32 @!p1 s14, s15  }
0x24: {  	s15 =	sand.u32 @!p1 $0x2000, s16;
	s16 =	sadd.s32 @!p1 s6, s17;
	s14 =	sshll.u32 @!p1 s14, $0x4  }
0x25: {  	s17 =	simm.s32 @!p1 $0x6400;
	s14 =	sadd.s32 @!p1 s14, s16;
	s16 =	simm.s32 @!p1 $0x40  }
0x26: {  	[tilespmem:s15], [sflag:$0x1] =	stream.strided.gather @!p1 [hbm4b:s14+s16], $0x2000, s17, s16, $0x38;
	[tilespmem:$0x8080] =	vst v63  }
0x27: {  	p1 =	sge.u32 s31, s5  }
.Ltmp2:
0x28: {  	_ = 	snop;
	(pc) =	sbr.rel @p1 .LBB1_5-.Ltmp2, $1  }
0x29: {  	_ =	sdelay $0x3  }
0x2a: {  	s14 =	simm.s32 $0x1  }
0x2b: {  	_ =	swait.ge [sflag:s4], $0x2000;
	s14 =	simm.s32 @!p0 $0x0  }
0x2c: {  	[sflag:s4] =	ssyncset.done $0x0;
	s15 =	sshll.u32 s14, $0xD  }
0x2d: {  	[sflag:s4] =	ssyncadd.s32 $0xFFFFE000;
	s18 =	sor.u32 $0x20, s15  }
0x2e: {  	s14 =	smul.u32 $0x8100, s14;
	v3 =	vld [tilespmem:s18+$0x10]  }
0x2f: {  	s30 =	sand.u32 $0x1, s11;
	v2 =	vld [tilespmem:s18+$0xFFFFFFF0]  }
0x30: {  	s15 =	smul.u32 $0x8100, s30;
	s14 =	sshrl.u32 s14, $0x2;
	v0 =	vld [tilespmem:s18+$0x0]  }
0x31: {  	v1 =	vld [tilespmem:s18+$0xFFFFFFE0];
	s16 =	sor.u32 $0x4000, s14  }
0x32: {  	s31 =	sshrl.u32 s15, $0x2;
	s15 =	sadd.s32 $0x0, s16  }
0x33: {  	s17 =	simm.s32 $0x4;
	s18 =	sadd.s32 $0x40, s18;
	s14 =	sor.u32 $0x4000, s31;
	[tilespmem:s15+$0x1830 ss:$0x81] =	vst.msk $0xffff, v3  }
.LBB1_3:
0x34: {  	v3 =	vld [tilespmem:s18+$0x10];
	p1 =	sne.s32 s17, $0x1FC;
	[tilespmem:s15+$0x810 ss:$0x81] =	vst.msk $0xffff, v2;
	s19 =	smov.u32 s17;
	s17 =	sadd.s32 $0x4, s17  }
.Ltmp3:
0x35: {  	v2 =	vld [tilespmem:s18+$0xFFFFFFF0];
	[tilespmem:s15+$0x1020 ss:$0x81] =	vst.msk $0xffff, v0;
	(pc) =	sbr.rel @p1 .LBB1_3-.Ltmp3, $4  }
0x36: {  	v0 =	vld [tilespmem:s18+$0x0];
	[tilespmem:s15+$0x0 ss:$0x81] =	vst.msk $0xffff, v1  }
0x37: {  	s15 =	sshra.s32 s19, $0x2;
	v1 =	vld [tilespmem:s18+$0xFFFFFFE0]  }
0x38: {  	s15 =	sadd.s32 s15, s16  }
0x39: {  	s18 =	sadd.s32 $0x40, s18;
	[tilespmem:s15+$0x1830 ss:$0x81] =	vst.msk $0xffff, v3  }
.Ltmp4:
0x3a: {  	_ = 	snop;
	(pc) =	sbr.rel .LBB1_4-.Ltmp4, $1  }
0x3b: {  	_ =	sdelay $0x3  }
.LBB1_6:
0x3c: {  	_ =	sfence.sel $0x180000  }
0x3d: {  	s2 =	simm.s32 $0x1;
	[bflag:$0x0] =	sbarrier.arrive $0xFFFF  }
0x3e: {  	s31 =	simm.s32 $0x2;
	[sflag:s2] =	ssyncpa.u1 $0x1  }
0x3f: {  	[sflag:s31] =	ssyncpa.u1 $0x1  }
0x40: {  	p0 =	sne.s32 s0, $0x0;
	_ =	strace $0x9000004A  }
0x41: {  	s0 =	sadd.s32 @!p0 $0x100000, s1;
	[bflag:$0x2] =	sbarrier.arrive $0xFFFF  }
0x42: {  	[sflag:s0] =	ssyncadd.tile.s32 @!p0 $0x1;
	_ =	shalt  }
.Lfunc_end1:
_tile_overlayer_lowered:
.L_overlay_start_2:
0x43: {  	(tag) =	ssettag $0x2  }
0x44: {  	s0 =	rddreg [dreg:$0x0];
	s2 =	stileid.u32  }
0x45: {  	s1 =	rddreg [dreg:$0x1];
	p0 =	sne.s32 s2, $0x0  }
0x46: {  	s3 =	rddreg [dreg:$0x2];
	[bflag:$0x3] =	sbarrier.arrive $0xFFFF;
	s2 =	simm.s32 @!p0 $0x1C01  }
0x47: {  	[timem:s3], [sflag:s2] =	dma.local @!p0 [hbm:s0], s1  }
0x48: {  	s0 =	simm.s32 @!p0 $0x1  }
0x49: {  	_ =	swait.ge @!p0 [sflag:s0], s1  }
0x4a: {  	s1 =	ssub.s32 @!p0 $0x0, s1;
	[sflag:s0] =	ssyncset.done @!p0 $0x0  }
0x4b: {  	[sflag:s0] =	ssyncadd.s32 @!p0 s1  }
0x4c: {  	[bflag:$0x3] =	sbarrier.arrive $0xFFFF  }
0x4d: {  	_ =	shalt  }

</sc_bundles>
